<compile_context>
chip_gen: v7x
topology: tpu7x:2x2x1
jax: 0.10.2.dev20260603
libtpu: 0.0.44.dev20260713+nightly
codegen_flags: <defaults>
</compile_context>

<pallas_src>
import functools

import jax
import jax.numpy as jnp
from jax import lax
from jax.experimental import pallas as pl
from jax.experimental.pallas import tpu as pltpu
from jax.experimental.pallas import tpu_sc as plsc

NM = 1_000_000
EMBED = 32
BATCH = 16384
NC, NS, L = 2, 16, 16
NW = NC * NS
PAIRS_W = BATCH // NW
SLOTS_W = 2 * PAIRS_W
CHUNK = 128
GROUPS = PAIRS_W // L

_mesh = plsc.VectorSubcoreMesh(core_axis_name="c", subcore_axis_name="s")


@functools.partial(
    pl.kernel,
    out_type=jax.ShapeDtypeStruct((BATCH,), jnp.float32),
    mesh=_mesh,
    scratch_types=[
        pltpu.VMEM((SLOTS_W,), jnp.int32),
        pltpu.VMEM((SLOTS_W, EMBED), jnp.float32),
        pltpu.VMEM((SLOTS_W,), jnp.float32),
        pltpu.VMEM((L * L,), jnp.float32),
        pltpu.VMEM((PAIRS_W,), jnp.float32),
        pltpu.SemaphoreType.DMA,
        pltpu.SemaphoreType.DMA,
    ],
    compiler_params=pltpu.CompilerParams(
        needs_layout_passes=False, use_tc_tiling_on_sc=False),
)
def _cf_kernel(u_hbm, v_hbm, bias_hbm, ent_hbm, out_hbm,
               uv_idx, rows, bvals, pmat, out_v, sem_e, sem_b):
    wid = lax.axis_index("s") * NC + lax.axis_index("c")
    base = wid * PAIRS_W
    pltpu.sync_copy(u_hbm.at[pl.ds(base, PAIRS_W)],
                    uv_idx.at[pl.ds(0, PAIRS_W)])
    pltpu.sync_copy(v_hbm.at[pl.ds(base, PAIRS_W)],
                    uv_idx.at[pl.ds(PAIRS_W, PAIRS_W)])

    copies = []
    for c in range(SLOTS_W // CHUNK):
        sl = pl.ds(c * CHUNK, CHUNK)
        copies.append(
            pltpu.async_copy(ent_hbm.at[uv_idx.at[sl]], rows.at[sl], sem_e))
        copies.append(
            pltpu.async_copy(bias_hbm.at[uv_idx.at[sl]], bvals.at[sl], sem_b))
    for cp in copies:
        cp.wait()

    lanes = lax.iota(jnp.int32, L)

    def group_body(g, carry):
        for i in range(L):
            ju = g * L + i
            jv = PAIRS_W + g * L + i
            u0 = rows[ju, pl.ds(0, L)]
            u1 = rows[ju, pl.ds(L, L)]
            v0 = rows[jv, pl.ds(0, L)]
            v1 = rows[jv, pl.ds(L, L)]
            pmat[pl.ds(i * L, L)] = u0 * v0 + u1 * v1
        acc = jnp.zeros((L,), jnp.float32)
        row = lanes * L
        for j in range(L):
            acc = acc + plsc.load_gather(pmat, [row + j])
        acc = acc + bvals[pl.ds(g * L, L)]
        acc = acc + bvals[pl.ds(PAIRS_W + g * L, L)]
        out_v[pl.ds(g * L, L)] = acc
        return carry

    lax.fori_loop(0, GROUPS, group_body, 0)
    pltpu.sync_copy(out_v, out_hbm.at[pl.ds(base, PAIRS_W)])


def kernel(x, biases, entities):
    x = x.astype(jnp.int32)
    return _cf_kernel(x[:, 0], x[:, 1], biases.reshape(-1), entities)

# --- scband reference (transcript-rebuilt; emitter-appended) ---
"""Pipeline reference for scband-cf-5686536700143 (READ-ONLY COPY).

The authoritative reference and input builder live on the scoring server;
editing this copy changes nothing except your own understanding.
"""

import jax, jax.numpy as jnp
import numpy as np

NM = 1000000  # N + M (users + items)
EMBED = 32
BATCH = 16384

def setup_inputs(seed: int = 0) -> dict:
    key = jax.random.key(seed)
    k1, k2, k3 = jax.random.split(key, 3)
    x = jax.random.randint(k1, (BATCH, 2), 0, NM, dtype=jnp.int64)
    biases = jax.random.normal(k2, (NM, 1), dtype=jnp.float32) * 0.01
    entities = jax.random.normal(k3, (NM, EMBED), dtype=jnp.float32) * 0.01
    return {"x": x, "biases": biases, "entities": entities}

def reference(x, biases, entities):
    # biases(x).sum(axis=1).squeeze() -> [B]
    b = jnp.take(biases, x, axis=0)          # [B, 2, 1]
    sum_users_items_biases = jnp.squeeze(jnp.sum(b, axis=1), axis=-1)  # [B]
    # entities(x).prod(axis=1).sum(axis=1) -> [B]
    e = jnp.take(entities, x, axis=0)        # [B, 2, D]
    users_items_emb = jnp.sum(jnp.prod(e, axis=1), axis=1)             # [B]
    return sum_users_items_biases + users_items_emb

if __name__ == "__main__":
    import jax
    _d = setup_inputs()
    print(jax.jit(kernel)(*tuple(_d.values())))

</pallas_src>

<mosaic_0001>
#map = affine_map<(d0, d1) -> (0)>
#map1 = affine_map<(d0, d1) -> (0, 0)>
module attributes {stable_mosaic.version = 14 : i64} {
  func.func @_cf_kernel(%arg0: i32, %arg1: i32, %arg2: memref<16384xi32, #tpu.memory_space<hbm>>, %arg3: memref<16384xi32, #tpu.memory_space<hbm>>, %arg4: memref<1000000xf32, #tpu.memory_space<hbm>>, %arg5: memref<1000000x32xf32, #tpu.memory_space<hbm>>, %arg6: memref<16384xf32, #tpu.memory_space<hbm>>, %arg7: memref<1024xi32, #tpu.memory_space<vmem>>, %arg8: memref<1024x32xf32, #tpu.memory_space<vmem>>, %arg9: memref<1024xf32, #tpu.memory_space<vmem>>, %arg10: memref<256xf32, #tpu.memory_space<vmem>>, %arg11: memref<512xf32, #tpu.memory_space<vmem>>, %arg12: memref<!tpu.dma_semaphore, #tpu.memory_space<semaphore_mem>>, %arg13: memref<!tpu.dma_semaphore, #tpu.memory_space<semaphore_mem>>) attributes {dimension_semantics = [#tpu.dimension_semantics<core_parallel>, #tpu.dimension_semantics<subcore_parallel>], iteration_bounds = array<i64: 2, 16>, scalar_prefetch = 0 : i64, scratch_operands = 7 : i64, tpu.core_type = #tpu.core_type<sc_vector_subcore>, window_params = [{transform_indices = #map}, {transform_indices = #map}, {transform_indices = #map}, {transform_indices = #map1}, {transform_indices = #map}]} {
    %mul3A = arith.constant 2 : i32
    %mul3A_0 = arith.muli %arg1, %mul3A : i32
    %add3A = arith.addi %mul3A_0, %arg0 : i32
    %mul3A_1 = arith.constant 512 : i32
    %mul3A_2 = arith.muli %add3A, %mul3A_1 : i32
    "tpu.region"() ({
      %run_scoped3A = tpu.sem_alloc : memref<!tpu.dma_semaphore, #tpu.memory_space<semaphore_mem>>
      %dma_start3A_230 = arith.constant 0 : i32
      %dma_start3A_231 = tpu.memref_slice %arg7[%dma_start3A_230] : memref<1024xi32, #tpu.memory_space<vmem>> -> memref<512xi32, #tpu.memory_space<vmem>>
      %dma_start3A_232 = tpu.memref_slice %arg2[%mul3A_2] : memref<16384xi32, #tpu.memory_space<hbm>> -> memref<512xi32, #tpu.memory_space<hbm>>
      %dma_start3A_233 = arith.constant 0 : i32
      %dma_start3A_234 = tpu.memref_slice %arg7[%dma_start3A_233] : memref<1024xi32, #tpu.memory_space<vmem>> -> memref<512xi32, #tpu.memory_space<vmem>>
      %dma_start3A_235 = tpu.memref_slice %arg2[%mul3A_2] : memref<16384xi32, #tpu.memory_space<hbm>> -> memref<512xi32, #tpu.memory_space<hbm>>
      tpu.enqueue_dma source(%dma_start3A_235 : memref<512xi32, #tpu.memory_space<hbm>>) target(%dma_start3A_234 : memref<512xi32, #tpu.memory_space<vmem>>) target_semaphore(%run_scoped3A : memref<!tpu.dma_semaphore, #tpu.memory_space<semaphore_mem>>)
      %dma_wait3A_236 = arith.constant 0 : i32
      %dma_wait3A_237 = tpu.memref_slice %arg7[%dma_wait3A_236] : memref<1024xi32, #tpu.memory_space<vmem>> -> memref<512xi32, #tpu.memory_space<vmem>>
      %dma_wait3A_238 = tpu.memref_slice %arg2[%mul3A_2] : memref<16384xi32, #tpu.memory_space<hbm>> -> memref<512xi32, #tpu.memory_space<hbm>>
      %dma_wait3A_239 = arith.constant 0 : i32
      %dma_wait3A_240 = tpu.memref_slice %arg7[%dma_wait3A_239] : memref<1024xi32, #tpu.memory_space<vmem>> -> memref<512xi32, #tpu.memory_space<vmem>>
      %dma_wait3A_241 = tpu.memref_slice %arg2[%mul3A_2] : memref<16384xi32, #tpu.memory_space<hbm>> -> memref<512xi32, #tpu.memory_space<hbm>>
      tpu.wait_dma2 semaphore(%run_scoped3A : memref<!tpu.dma_semaphore, #tpu.memory_space<semaphore_mem>>) src(%dma_wait3A_241 : memref<512xi32, #tpu.memory_space<hbm>>) dst(%dma_wait3A_240 : memref<512xi32, #tpu.memory_space<vmem>>)
      tpu.yield
    }) : () -> ()
    "tpu.region"() ({
      %run_scoped3A = tpu.sem_alloc : memref<!tpu.dma_semaphore, #tpu.memory_space<semaphore_mem>>
      %dma_start3A_230 = arith.constant 512 : i32
      %dma_start3A_231 = tpu.memref_slice %arg7[%dma_start3A_230] : memref<1024xi32, #tpu.memory_space<vmem>> -> memref<512xi32, #tpu.memory_space<vmem>>
      %dma_start3A_232 = tpu.memref_slice %arg3[%mul3A_2] : memref<16384xi32, #tpu.memory_space<hbm>> -> memref<512xi32, #tpu.memory_space<hbm>>
      %dma_start3A_233 = arith.constant 512 : i32
      %dma_start3A_234 = tpu.memref_slice %arg7[%dma_start3A_233] : memref<1024xi32, #tpu.memory_space<vmem>> -> memref<512xi32, #tpu.memory_space<vmem>>
      %dma_start3A_235 = tpu.memref_slice %arg3[%mul3A_2] : memref<16384xi32, #tpu.memory_space<hbm>> -> memref<512xi32, #tpu.memory_space<hbm>>
      tpu.enqueue_dma source(%dma_start3A_235 : memref<512xi32, #tpu.memory_space<hbm>>) target(%dma_start3A_234 : memref<512xi32, #tpu.memory_space<vmem>>) target_semaphore(%run_scoped3A : memref<!tpu.dma_semaphore, #tpu.memory_space<semaphore_mem>>)
      %dma_wait3A_236 = arith.constant 512 : i32
      %dma_wait3A_237 = tpu.memref_slice %arg7[%dma_wait3A_236] : memref<1024xi32, #tpu.memory_space<vmem>> -> memref<512xi32, #tpu.memory_space<vmem>>
      %dma_wait3A_238 = tpu.memref_slice %arg3[%mul3A_2] : memref<16384xi32, #tpu.memory_space<hbm>> -> memref<512xi32, #tpu.memory_space<hbm>>
      %dma_wait3A_239 = arith.constant 512 : i32
      %dma_wait3A_240 = tpu.memref_slice %arg7[%dma_wait3A_239] : memref<1024xi32, #tpu.memory_space<vmem>> -> memref<512xi32, #tpu.memory_space<vmem>>
      %dma_wait3A_241 = tpu.memref_slice %arg3[%mul3A_2] : memref<16384xi32, #tpu.memory_space<hbm>> -> memref<512xi32, #tpu.memory_space<hbm>>
      tpu.wait_dma2 semaphore(%run_scoped3A : memref<!tpu.dma_semaphore, #tpu.memory_space<semaphore_mem>>) src(%dma_wait3A_241 : memref<512xi32, #tpu.memory_space<hbm>>) dst(%dma_wait3A_240 : memref<512xi32, #tpu.memory_space<vmem>>)
      tpu.yield
    }) : () -> ()
    %dma_start3A = arith.constant 0 : i32
    %dma_start3A_3 = arith.constant 0 : i32
    %dma_start3A_4 = tpu.memref_slice %arg8[%dma_start3A, %dma_start3A_3] : memref<1024x32xf32, #tpu.memory_space<vmem>> -> memref<128x32xf32, #tpu.memory_space<vmem>>
    %dma_start3A_5 = arith.constant 0 : i32
    %dma_start3A_6 = tpu.memref_slice %arg7[%dma_start3A_5] : memref<1024xi32, #tpu.memory_space<vmem>> -> memref<128xi32, #tpu.memory_space<vmem>>
    %dma_start3A_7 = arith.constant 0 : i32
    %dma_start3A_8 = arith.constant 0 : i32
    %dma_start3A_9 = tpu.memref_slice %arg5[%dma_start3A_7, %dma_start3A_8] : memref<1000000x32xf32, #tpu.memory_space<hbm>> -> memref<1000000x32xf32, #tpu.memory_space<hbm>>
    tpu.enqueue_indirect_dma source(%dma_start3A_9 : memref<1000000x32xf32, #tpu.memory_space<hbm>>) target(%dma_start3A_4 : memref<128x32xf32, #tpu.memory_space<vmem>>) offsets(%dma_start3A_6 : memref<128xi32, #tpu.memory_space<vmem>>) semaphore(%arg12 : memref<!tpu.dma_semaphore, #tpu.memory_space<semaphore_mem>>)
    %dma_start3A_10 = arith.constant 0 : i32
    %dma_start3A_11 = tpu.memref_slice %arg9[%dma_start3A_10] : memref<1024xf32, #tpu.memory_space<vmem>> -> memref<128xf32, #tpu.memory_space<vmem>>
    %dma_start3A_12 = arith.constant 0 : i32
    %dma_start3A_13 = tpu.memref_slice %arg7[%dma_start3A_12] : memref<1024xi32, #tpu.memory_space<vmem>> -> memref<128xi32, #tpu.memory_space<vmem>>
    %dma_start3A_14 = arith.constant 0 : i32
    %dma_start3A_15 = tpu.memref_slice %arg4[%dma_start3A_14] : memref<1000000xf32, #tpu.memory_space<hbm>> -> memref<1000000xf32, #tpu.memory_space<hbm>>
    tpu.enqueue_indirect_dma source(%dma_start3A_15 : memref<1000000xf32, #tpu.memory_space<hbm>>) target(%dma_start3A_11 : memref<128xf32, #tpu.memory_space<vmem>>) offsets(%dma_start3A_13 : memref<128xi32, #tpu.memory_space<vmem>>) semaphore(%arg13 : memref<!tpu.dma_semaphore, #tpu.memory_space<semaphore_mem>>)
    %dma_start3A_16 = arith.constant 128 : i32
    %dma_start3A_17 = arith.constant 0 : i32
    %dma_start3A_18 = tpu.memref_slice %arg8[%dma_start3A_16, %dma_start3A_17] : memref<1024x32xf32, #tpu.memory_space<vmem>> -> memref<128x32xf32, #tpu.memory_space<vmem>>
    %dma_start3A_19 = arith.constant 128 : i32
    %dma_start3A_20 = tpu.memref_slice %arg7[%dma_start3A_19] : memref<1024xi32, #tpu.memory_space<vmem>> -> memref<128xi32, #tpu.memory_space<vmem>>
    %dma_start3A_21 = arith.constant 0 : i32
    %dma_start3A_22 = arith.constant 0 : i32
    %dma_start3A_23 = tpu.memref_slice %arg5[%dma_start3A_21, %dma_start3A_22] : memref<1000000x32xf32, #tpu.memory_space<hbm>> -> memref<1000000x32xf32, #tpu.memory_space<hbm>>
    tpu.enqueue_indirect_dma source(%dma_start3A_23 : memref<1000000x32xf32, #tpu.memory_space<hbm>>) target(%dma_start3A_18 : memref<128x32xf32, #tpu.memory_space<vmem>>) offsets(%dma_start3A_20 : memref<128xi32, #tpu.memory_space<vmem>>) semaphore(%arg12 : memref<!tpu.dma_semaphore, #tpu.memory_space<semaphore_mem>>)
    %dma_start3A_24 = arith.constant 128 : i32
    %dma_start3A_25 = tpu.memref_slice %arg9[%dma_start3A_24] : memref<1024xf32, #tpu.memory_space<vmem>> -> memref<128xf32, #tpu.memory_space<vmem>>
    %dma_start3A_26 = arith.constant 128 : i32
    %dma_start3A_27 = tpu.memref_slice %arg7[%dma_start3A_26] : memref<1024xi32, #tpu.memory_space<vmem>> -> memref<128xi32, #tpu.memory_space<vmem>>
    %dma_start3A_28 = arith.constant 0 : i32
    %dma_start3A_29 = tpu.memref_slice %arg4[%dma_start3A_28] : memref<1000000xf32, #tpu.memory_space<hbm>> -> memref<1000000xf32, #tpu.memory_space<hbm>>
    tpu.enqueue_indirect_dma source(%dma_start3A_29 : memref<1000000xf32, #tpu.memory_space<hbm>>) target(%dma_start3A_25 : memref<128xf32, #tpu.memory_space<vmem>>) offsets(%dma_start3A_27 : memref<128xi32, #tpu.memory_space<vmem>>) semaphore(%arg13 : memref<!tpu.dma_semaphore, #tpu.memory_space<semaphore_mem>>)
    %dma_start3A_30 = arith.constant 256 : i32
    %dma_start3A_31 = arith.constant 0 : i32
    %dma_start3A_32 = tpu.memref_slice %arg8[%dma_start3A_30, %dma_start3A_31] : memref<1024x32xf32, #tpu.memory_space<vmem>> -> memref<128x32xf32, #tpu.memory_space<vmem>>
    %dma_start3A_33 = arith.constant 256 : i32
    %dma_start3A_34 = tpu.memref_slice %arg7[%dma_start3A_33] : memref<1024xi32, #tpu.memory_space<vmem>> -> memref<128xi32, #tpu.memory_space<vmem>>
    %dma_start3A_35 = arith.constant 0 : i32
    %dma_start3A_36 = arith.constant 0 : i32
    %dma_start3A_37 = tpu.memref_slice %arg5[%dma_start3A_35, %dma_start3A_36] : memref<1000000x32xf32, #tpu.memory_space<hbm>> -> memref<1000000x32xf32, #tpu.memory_space<hbm>>
    tpu.enqueue_indirect_dma source(%dma_start3A_37 : memref<1000000x32xf32, #tpu.memory_space<hbm>>) target(%dma_start3A_32 : memref<128x32xf32, #tpu.memory_space<vmem>>) offsets(%dma_start3A_34 : memref<128xi32, #tpu.memory_space<vmem>>) semaphore(%arg12 : memref<!tpu.dma_semaphore, #tpu.memory_space<semaphore_mem>>)
    %dma_start3A_38 = arith.constant 256 : i32
    %dma_start3A_39 = tpu.memref_slice %arg9[%dma_start3A_38] : memref<1024xf32, #tpu.memory_space<vmem>> -> memref<128xf32, #tpu.memory_space<vmem>>
    %dma_start3A_40 = arith.constant 256 : i32
    %dma_start3A_41 = tpu.memref_slice %arg7[%dma_start3A_40] : memref<1024xi32, #tpu.memory_space<vmem>> -> memref<128xi32, #tpu.memory_space<vmem>>
    %dma_start3A_42 = arith.constant 0 : i32
    %dma_start3A_43 = tpu.memref_slice %arg4[%dma_start3A_42] : memref<1000000xf32, #tpu.memory_space<hbm>> -> memref<1000000xf32, #tpu.memory_space<hbm>>
    tpu.enqueue_indirect_dma source(%dma_start3A_43 : memref<1000000xf32, #tpu.memory_space<hbm>>) target(%dma_start3A_39 : memref<128xf32, #tpu.memory_space<vmem>>) offsets(%dma_start3A_41 : memref<128xi32, #tpu.memory_space<vmem>>) semaphore(%arg13 : memref<!tpu.dma_semaphore, #tpu.memory_space<semaphore_mem>>)
    %dma_start3A_44 = arith.constant 384 : i32
    %dma_start3A_45 = arith.constant 0 : i32
    %dma_start3A_46 = tpu.memref_slice %arg8[%dma_start3A_44, %dma_start3A_45] : memref<1024x32xf32, #tpu.memory_space<vmem>> -> memref<128x32xf32, #tpu.memory_space<vmem>>
    %dma_start3A_47 = arith.constant 384 : i32
    %dma_start3A_48 = tpu.memref_slice %arg7[%dma_start3A_47] : memref<1024xi32, #tpu.memory_space<vmem>> -> memref<128xi32, #tpu.memory_space<vmem>>
    %dma_start3A_49 = arith.constant 0 : i32
    %dma_start3A_50 = arith.constant 0 : i32
    %dma_start3A_51 = tpu.memref_slice %arg5[%dma_start3A_49, %dma_start3A_50] : memref<1000000x32xf32, #tpu.memory_space<hbm>> -> memref<1000000x32xf32, #tpu.memory_space<hbm>>
    tpu.enqueue_indirect_dma source(%dma_start3A_51 : memref<1000000x32xf32, #tpu.memory_space<hbm>>) target(%dma_start3A_46 : memref<128x32xf32, #tpu.memory_space<vmem>>) offsets(%dma_start3A_48 : memref<128xi32, #tpu.memory_space<vmem>>) semaphore(%arg12 : memref<!tpu.dma_semaphore, #tpu.memory_space<semaphore_mem>>)
    %dma_start3A_52 = arith.constant 384 : i32
    %dma_start3A_53 = tpu.memref_slice %arg9[%dma_start3A_52] : memref<1024xf32, #tpu.memory_space<vmem>> -> memref<128xf32, #tpu.memory_space<vmem>>
    %dma_start3A_54 = arith.constant 384 : i32
    %dma_start3A_55 = tpu.memref_slice %arg7[%dma_start3A_54] : memref<1024xi32, #tpu.memory_space<vmem>> -> memref<128xi32, #tpu.memory_space<vmem>>
    %dma_start3A_56 = arith.constant 0 : i32
    %dma_start3A_57 = tpu.memref_slice %arg4[%dma_start3A_56] : memref<1000000xf32, #tpu.memory_space<hbm>> -> memref<1000000xf32, #tpu.memory_space<hbm>>
    tpu.enqueue_indirect_dma source(%dma_start3A_57 : memref<1000000xf32, #tpu.memory_space<hbm>>) target(%dma_start3A_53 : memref<128xf32, #tpu.memory_space<vmem>>) offsets(%dma_start3A_55 : memref<128xi32, #tpu.memory_space<vmem>>) semaphore(%arg13 : memref<!tpu.dma_semaphore, #tpu.memory_space<semaphore_mem>>)
    %dma_start3A_58 = arith.constant 512 : i32
    %dma_start3A_59 = arith.constant 0 : i32
    %dma_start3A_60 = tpu.memref_slice %arg8[%dma_start3A_58, %dma_start3A_59] : memref<1024x32xf32, #tpu.memory_space<vmem>> -> memref<128x32xf32, #tpu.memory_space<vmem>>
    %dma_start3A_61 = arith.constant 512 : i32
    %dma_start3A_62 = tpu.memref_slice %arg7[%dma_start3A_61] : memref<1024xi32, #tpu.memory_space<vmem>> -> memref<128xi32, #tpu.memory_space<vmem>>
    %dma_start3A_63 = arith.constant 0 : i32
    %dma_start3A_64 = arith.constant 0 : i32
    %dma_start3A_65 = tpu.memref_slice %arg5[%dma_start3A_63, %dma_start3A_64] : memref<1000000x32xf32, #tpu.memory_space<hbm>> -> memref<1000000x32xf32, #tpu.memory_space<hbm>>
    tpu.enqueue_indirect_dma source(%dma_start3A_65 : memref<1000000x32xf32, #tpu.memory_space<hbm>>) target(%dma_start3A_60 : memref<128x32xf32, #tpu.memory_space<vmem>>) offsets(%dma_start3A_62 : memref<128xi32, #tpu.memory_space<vmem>>) semaphore(%arg12 : memref<!tpu.dma_semaphore, #tpu.memory_space<semaphore_mem>>)
    %dma_start3A_66 = arith.constant 512 : i32
    %dma_start3A_67 = tpu.memref_slice %arg9[%dma_start3A_66] : memref<1024xf32, #tpu.memory_space<vmem>> -> memref<128xf32, #tpu.memory_space<vmem>>
    %dma_start3A_68 = arith.constant 512 : i32
    %dma_start3A_69 = tpu.memref_slice %arg7[%dma_start3A_68] : memref<1024xi32, #tpu.memory_space<vmem>> -> memref<128xi32, #tpu.memory_space<vmem>>
    %dma_start3A_70 = arith.constant 0 : i32
    %dma_start3A_71 = tpu.memref_slice %arg4[%dma_start3A_70] : memref<1000000xf32, #tpu.memory_space<hbm>> -> memref<1000000xf32, #tpu.memory_space<hbm>>
    tpu.enqueue_indirect_dma source(%dma_start3A_71 : memref<1000000xf32, #tpu.memory_space<hbm>>) target(%dma_start3A_67 : memref<128xf32, #tpu.memory_space<vmem>>) offsets(%dma_start3A_69 : memref<128xi32, #tpu.memory_space<vmem>>) semaphore(%arg13 : memref<!tpu.dma_semaphore, #tpu.memory_space<semaphore_mem>>)
    %dma_start3A_72 = arith.constant 640 : i32
    %dma_start3A_73 = arith.constant 0 : i32
    %dma_start3A_74 = tpu.memref_slice %arg8[%dma_start3A_72, %dma_start3A_73] : memref<1024x32xf32, #tpu.memory_space<vmem>> -> memref<128x32xf32, #tpu.memory_space<vmem>>
    %dma_start3A_75 = arith.constant 640 : i32
    %dma_start3A_76 = tpu.memref_slice %arg7[%dma_start3A_75] : memref<1024xi32, #tpu.memory_space<vmem>> -> memref<128xi32, #tpu.memory_space<vmem>>
    %dma_start3A_77 = arith.constant 0 : i32
    %dma_start3A_78 = arith.constant 0 : i32
    %dma_start3A_79 = tpu.memref_slice %arg5[%dma_start3A_77, %dma_start3A_78] : memref<1000000x32xf32, #tpu.memory_space<hbm>> -> memref<1000000x32xf32, #tpu.memory_space<hbm>>
    tpu.enqueue_indirect_dma source(%dma_start3A_79 : memref<1000000x32xf32, #tpu.memory_space<hbm>>) target(%dma_start3A_74 : memref<128x32xf32, #tpu.memory_space<vmem>>) offsets(%dma_start3A_76 : memref<128xi32, #tpu.memory_space<vmem>>) semaphore(%arg12 : memref<!tpu.dma_semaphore, #tpu.memory_space<semaphore_mem>>)
    %dma_start3A_80 = arith.constant 640 : i32
    %dma_start3A_81 = tpu.memref_slice %arg9[%dma_start3A_80] : memref<1024xf32, #tpu.memory_space<vmem>> -> memref<128xf32, #tpu.memory_space<vmem>>
    %dma_start3A_82 = arith.constant 640 : i32
    %dma_start3A_83 = tpu.memref_slice %arg7[%dma_start3A_82] : memref<1024xi32, #tpu.memory_space<vmem>> -> memref<128xi32, #tpu.memory_space<vmem>>
    %dma_start3A_84 = arith.constant 0 : i32
    %dma_start3A_85 = tpu.memref_slice %arg4[%dma_start3A_84] : memref<1000000xf32, #tpu.memory_space<hbm>> -> memref<1000000xf32, #tpu.memory_space<hbm>>
    tpu.enqueue_indirect_dma source(%dma_start3A_85 : memref<1000000xf32, #tpu.memory_space<hbm>>) target(%dma_start3A_81 : memref<128xf32, #tpu.memory_space<vmem>>) offsets(%dma_start3A_83 : memref<128xi32, #tpu.memory_space<vmem>>) semaphore(%arg13 : memref<!tpu.dma_semaphore, #tpu.memory_space<semaphore_mem>>)
    %dma_start3A_86 = arith.constant 768 : i32
    %dma_start3A_87 = arith.constant 0 : i32
    %dma_start3A_88 = tpu.memref_slice %arg8[%dma_start3A_86, %dma_start3A_87] : memref<1024x32xf32, #tpu.memory_space<vmem>> -> memref<128x32xf32, #tpu.memory_space<vmem>>
    %dma_start3A_89 = arith.constant 768 : i32
    %dma_start3A_90 = tpu.memref_slice %arg7[%dma_start3A_89] : memref<1024xi32, #tpu.memory_space<vmem>> -> memref<128xi32, #tpu.memory_space<vmem>>
    %dma_start3A_91 = arith.constant 0 : i32
    %dma_start3A_92 = arith.constant 0 : i32
    %dma_start3A_93 = tpu.memref_slice %arg5[%dma_start3A_91, %dma_start3A_92] : memref<1000000x32xf32, #tpu.memory_space<hbm>> -> memref<1000000x32xf32, #tpu.memory_space<hbm>>
    tpu.enqueue_indirect_dma source(%dma_start3A_93 : memref<1000000x32xf32, #tpu.memory_space<hbm>>) target(%dma_start3A_88 : memref<128x32xf32, #tpu.memory_space<vmem>>) offsets(%dma_start3A_90 : memref<128xi32, #tpu.memory_space<vmem>>) semaphore(%arg12 : memref<!tpu.dma_semaphore, #tpu.memory_space<semaphore_mem>>)
    %dma_start3A_94 = arith.constant 768 : i32
    %dma_start3A_95 = tpu.memref_slice %arg9[%dma_start3A_94] : memref<1024xf32, #tpu.memory_space<vmem>> -> memref<128xf32, #tpu.memory_space<vmem>>
    %dma_start3A_96 = arith.constant 768 : i32
    %dma_start3A_97 = tpu.memref_slice %arg7[%dma_start3A_96] : memref<1024xi32, #tpu.memory_space<vmem>> -> memref<128xi32, #tpu.memory_space<vmem>>
    %dma_start3A_98 = arith.constant 0 : i32
    %dma_start3A_99 = tpu.memref_slice %arg4[%dma_start3A_98] : memref<1000000xf32, #tpu.memory_space<hbm>> -> memref<1000000xf32, #tpu.memory_space<hbm>>
    tpu.enqueue_indirect_dma source(%dma_start3A_99 : memref<1000000xf32, #tpu.memory_space<hbm>>) target(%dma_start3A_95 : memref<128xf32, #tpu.memory_space<vmem>>) offsets(%dma_start3A_97 : memref<128xi32, #tpu.memory_space<vmem>>) semaphore(%arg13 : memref<!tpu.dma_semaphore, #tpu.memory_space<semaphore_mem>>)
    %dma_start3A_100 = arith.constant 896 : i32
    %dma_start3A_101 = arith.constant 0 : i32
    %dma_start3A_102 = tpu.memref_slice %arg8[%dma_start3A_100, %dma_start3A_101] : memref<1024x32xf32, #tpu.memory_space<vmem>> -> memref<128x32xf32, #tpu.memory_space<vmem>>
    %dma_start3A_103 = arith.constant 896 : i32
    %dma_start3A_104 = tpu.memref_slice %arg7[%dma_start3A_103] : memref<1024xi32, #tpu.memory_space<vmem>> -> memref<128xi32, #tpu.memory_space<vmem>>
    %dma_start3A_105 = arith.constant 0 : i32
    %dma_start3A_106 = arith.constant 0 : i32
    %dma_start3A_107 = tpu.memref_slice %arg5[%dma_start3A_105, %dma_start3A_106] : memref<1000000x32xf32, #tpu.memory_space<hbm>> -> memref<1000000x32xf32, #tpu.memory_space<hbm>>
    tpu.enqueue_indirect_dma source(%dma_start3A_107 : memref<1000000x32xf32, #tpu.memory_space<hbm>>) target(%dma_start3A_102 : memref<128x32xf32, #tpu.memory_space<vmem>>) offsets(%dma_start3A_104 : memref<128xi32, #tpu.memory_space<vmem>>) semaphore(%arg12 : memref<!tpu.dma_semaphore, #tpu.memory_space<semaphore_mem>>)
    %dma_start3A_108 = arith.constant 896 : i32
    %dma_start3A_109 = tpu.memref_slice %arg9[%dma_start3A_108] : memref<1024xf32, #tpu.memory_space<vmem>> -> memref<128xf32, #tpu.memory_space<vmem>>
    %dma_start3A_110 = arith.constant 896 : i32
    %dma_start3A_111 = tpu.memref_slice %arg7[%dma_start3A_110] : memref<1024xi32, #tpu.memory_space<vmem>> -> memref<128xi32, #tpu.memory_space<vmem>>
    %dma_start3A_112 = arith.constant 0 : i32
    %dma_start3A_113 = tpu.memref_slice %arg4[%dma_start3A_112] : memref<1000000xf32, #tpu.memory_space<hbm>> -> memref<1000000xf32, #tpu.memory_space<hbm>>
    tpu.enqueue_indirect_dma source(%dma_start3A_113 : memref<1000000xf32, #tpu.memory_space<hbm>>) target(%dma_start3A_109 : memref<128xf32, #tpu.memory_space<vmem>>) offsets(%dma_start3A_111 : memref<128xi32, #tpu.memory_space<vmem>>) semaphore(%arg13 : memref<!tpu.dma_semaphore, #tpu.memory_space<semaphore_mem>>)
    %dma_wait3A = arith.constant 0 : i32
    %dma_wait3A_114 = arith.constant 0 : i32
    %dma_wait3A_115 = tpu.memref_slice %arg8[%dma_wait3A, %dma_wait3A_114] : memref<1024x32xf32, #tpu.memory_space<vmem>> -> memref<128x32xf32, #tpu.memory_space<vmem>>
    %dma_wait3A_116 = arith.constant 0 : i32
    %dma_wait3A_117 = tpu.memref_slice %arg7[%dma_wait3A_116] : memref<1024xi32, #tpu.memory_space<vmem>> -> memref<128xi32, #tpu.memory_space<vmem>>
    %dma_wait3A_118 = arith.constant 0 : i32
    %dma_wait3A_119 = arith.constant 0 : i32
    %dma_wait3A_120 = tpu.memref_slice %arg5[%dma_wait3A_118, %dma_wait3A_119] : memref<1000000x32xf32, #tpu.memory_space<hbm>> -> memref<1000000x32xf32, #tpu.memory_space<hbm>>
    tpu.wait_indirect_dma semaphore(%arg12 : memref<!tpu.dma_semaphore, #tpu.memory_space<semaphore_mem>>) src(%dma_wait3A_120 : memref<1000000x32xf32, #tpu.memory_space<hbm>>) dst(%dma_wait3A_115 : memref<128x32xf32, #tpu.memory_space<vmem>>)
    %dma_wait3A_121 = arith.constant 0 : i32
    %dma_wait3A_122 = tpu.memref_slice %arg9[%dma_wait3A_121] : memref<1024xf32, #tpu.memory_space<vmem>> -> memref<128xf32, #tpu.memory_space<vmem>>
    %dma_wait3A_123 = arith.constant 0 : i32
    %dma_wait3A_124 = tpu.memref_slice %arg7[%dma_wait3A_123] : memref<1024xi32, #tpu.memory_space<vmem>> -> memref<128xi32, #tpu.memory_space<vmem>>
    %dma_wait3A_125 = arith.constant 0 : i32
    %dma_wait3A_126 = tpu.memref_slice %arg4[%dma_wait3A_125] : memref<1000000xf32, #tpu.memory_space<hbm>> -> memref<1000000xf32, #tpu.memory_space<hbm>>
    tpu.wait_indirect_dma semaphore(%arg13 : memref<!tpu.dma_semaphore, #tpu.memory_space<semaphore_mem>>) src(%dma_wait3A_126 : memref<1000000xf32, #tpu.memory_space<hbm>>) dst(%dma_wait3A_122 : memref<128xf32, #tpu.memory_space<vmem>>)
    %dma_wait3A_127 = arith.constant 128 : i32
    %dma_wait3A_128 = arith.constant 0 : i32
    %dma_wait3A_129 = tpu.memref_slice %arg8[%dma_wait3A_127, %dma_wait3A_128] : memref<1024x32xf32, #tpu.memory_space<vmem>> -> memref<128x32xf32, #tpu.memory_space<vmem>>
    %dma_wait3A_130 = arith.constant 128 : i32
    %dma_wait3A_131 = tpu.memref_slice %arg7[%dma_wait3A_130] : memref<1024xi32, #tpu.memory_space<vmem>> -> memref<128xi32, #tpu.memory_space<vmem>>
    %dma_wait3A_132 = arith.constant 0 : i32
    %dma_wait3A_133 = arith.constant 0 : i32
    %dma_wait3A_134 = tpu.memref_slice %arg5[%dma_wait3A_132, %dma_wait3A_133] : memref<1000000x32xf32, #tpu.memory_space<hbm>> -> memref<1000000x32xf32, #tpu.memory_space<hbm>>
    tpu.wait_indirect_dma semaphore(%arg12 : memref<!tpu.dma_semaphore, #tpu.memory_space<semaphore_mem>>) src(%dma_wait3A_134 : memref<1000000x32xf32, #tpu.memory_space<hbm>>) dst(%dma_wait3A_129 : memref<128x32xf32, #tpu.memory_space<vmem>>)
    %dma_wait3A_135 = arith.constant 128 : i32
    %dma_wait3A_136 = tpu.memref_slice %arg9[%dma_wait3A_135] : memref<1024xf32, #tpu.memory_space<vmem>> -> memref<128xf32, #tpu.memory_space<vmem>>
    %dma_wait3A_137 = arith.constant 128 : i32
    %dma_wait3A_138 = tpu.memref_slice %arg7[%dma_wait3A_137] : memref<1024xi32, #tpu.memory_space<vmem>> -> memref<128xi32, #tpu.memory_space<vmem>>
    %dma_wait3A_139 = arith.constant 0 : i32
    %dma_wait3A_140 = tpu.memref_slice %arg4[%dma_wait3A_139] : memref<1000000xf32, #tpu.memory_space<hbm>> -> memref<1000000xf32, #tpu.memory_space<hbm>>
    tpu.wait_indirect_dma semaphore(%arg13 : memref<!tpu.dma_semaphore, #tpu.memory_space<semaphore_mem>>) src(%dma_wait3A_140 : memref<1000000xf32, #tpu.memory_space<hbm>>) dst(%dma_wait3A_136 : memref<128xf32, #tpu.memory_space<vmem>>)
    %dma_wait3A_141 = arith.constant 256 : i32
    %dma_wait3A_142 = arith.constant 0 : i32
    %dma_wait3A_143 = tpu.memref_slice %arg8[%dma_wait3A_141, %dma_wait3A_142] : memref<1024x32xf32, #tpu.memory_space<vmem>> -> memref<128x32xf32, #tpu.memory_space<vmem>>
    %dma_wait3A_144 = arith.constant 256 : i32
    %dma_wait3A_145 = tpu.memref_slice %arg7[%dma_wait3A_144] : memref<1024xi32, #tpu.memory_space<vmem>> -> memref<128xi32, #tpu.memory_space<vmem>>
    %dma_wait3A_146 = arith.constant 0 : i32
    %dma_wait3A_147 = arith.constant 0 : i32
    %dma_wait3A_148 = tpu.memref_slice %arg5[%dma_wait3A_146, %dma_wait3A_147] : memref<1000000x32xf32, #tpu.memory_space<hbm>> -> memref<1000000x32xf32, #tpu.memory_space<hbm>>
    tpu.wait_indirect_dma semaphore(%arg12 : memref<!tpu.dma_semaphore, #tpu.memory_space<semaphore_mem>>) src(%dma_wait3A_148 : memref<1000000x32xf32, #tpu.memory_space<hbm>>) dst(%dma_wait3A_143 : memref<128x32xf32, #tpu.memory_space<vmem>>)
    %dma_wait3A_149 = arith.constant 256 : i32
    %dma_wait3A_150 = tpu.memref_slice %arg9[%dma_wait3A_149] : memref<1024xf32, #tpu.memory_space<vmem>> -> memref<128xf32, #tpu.memory_space<vmem>>
    %dma_wait3A_151 = arith.constant 256 : i32
    %dma_wait3A_152 = tpu.memref_slice %arg7[%dma_wait3A_151] : memref<1024xi32, #tpu.memory_space<vmem>> -> memref<128xi32, #tpu.memory_space<vmem>>
    %dma_wait3A_153 = arith.constant 0 : i32
    %dma_wait3A_154 = tpu.memref_slice %arg4[%dma_wait3A_153] : memref<1000000xf32, #tpu.memory_space<hbm>> -> memref<1000000xf32, #tpu.memory_space<hbm>>
    tpu.wait_indirect_dma semaphore(%arg13 : memref<!tpu.dma_semaphore, #tpu.memory_space<semaphore_mem>>) src(%dma_wait3A_154 : memref<1000000xf32, #tpu.memory_space<hbm>>) dst(%dma_wait3A_150 : memref<128xf32, #tpu.memory_space<vmem>>)
    %dma_wait3A_155 = arith.constant 384 : i32
    %dma_wait3A_156 = arith.constant 0 : i32
    %dma_wait3A_157 = tpu.memref_slice %arg8[%dma_wait3A_155, %dma_wait3A_156] : memref<1024x32xf32, #tpu.memory_space<vmem>> -> memref<128x32xf32, #tpu.memory_space<vmem>>
    %dma_wait3A_158 = arith.constant 384 : i32
    %dma_wait3A_159 = tpu.memref_slice %arg7[%dma_wait3A_158] : memref<1024xi32, #tpu.memory_space<vmem>> -> memref<128xi32, #tpu.memory_space<vmem>>
    %dma_wait3A_160 = arith.constant 0 : i32
    %dma_wait3A_161 = arith.constant 0 : i32
    %dma_wait3A_162 = tpu.memref_slice %arg5[%dma_wait3A_160, %dma_wait3A_161] : memref<1000000x32xf32, #tpu.memory_space<hbm>> -> memref<1000000x32xf32, #tpu.memory_space<hbm>>
    tpu.wait_indirect_dma semaphore(%arg12 : memref<!tpu.dma_semaphore, #tpu.memory_space<semaphore_mem>>) src(%dma_wait3A_162 : memref<1000000x32xf32, #tpu.memory_space<hbm>>) dst(%dma_wait3A_157 : memref<128x32xf32, #tpu.memory_space<vmem>>)
    %dma_wait3A_163 = arith.constant 384 : i32
    %dma_wait3A_164 = tpu.memref_slice %arg9[%dma_wait3A_163] : memref<1024xf32, #tpu.memory_space<vmem>> -> memref<128xf32, #tpu.memory_space<vmem>>
    %dma_wait3A_165 = arith.constant 384 : i32
    %dma_wait3A_166 = tpu.memref_slice %arg7[%dma_wait3A_165] : memref<1024xi32, #tpu.memory_space<vmem>> -> memref<128xi32, #tpu.memory_space<vmem>>
    %dma_wait3A_167 = arith.constant 0 : i32
    %dma_wait3A_168 = tpu.memref_slice %arg4[%dma_wait3A_167] : memref<1000000xf32, #tpu.memory_space<hbm>> -> memref<1000000xf32, #tpu.memory_space<hbm>>
    tpu.wait_indirect_dma semaphore(%arg13 : memref<!tpu.dma_semaphore, #tpu.memory_space<semaphore_mem>>) src(%dma_wait3A_168 : memref<1000000xf32, #tpu.memory_space<hbm>>) dst(%dma_wait3A_164 : memref<128xf32, #tpu.memory_space<vmem>>)
    %dma_wait3A_169 = arith.constant 512 : i32
    %dma_wait3A_170 = arith.constant 0 : i32
    %dma_wait3A_171 = tpu.memref_slice %arg8[%dma_wait3A_169, %dma_wait3A_170] : memref<1024x32xf32, #tpu.memory_space<vmem>> -> memref<128x32xf32, #tpu.memory_space<vmem>>
    %dma_wait3A_172 = arith.constant 512 : i32
    %dma_wait3A_173 = tpu.memref_slice %arg7[%dma_wait3A_172] : memref<1024xi32, #tpu.memory_space<vmem>> -> memref<128xi32, #tpu.memory_space<vmem>>
    %dma_wait3A_174 = arith.constant 0 : i32
    %dma_wait3A_175 = arith.constant 0 : i32
    %dma_wait3A_176 = tpu.memref_slice %arg5[%dma_wait3A_174, %dma_wait3A_175] : memref<1000000x32xf32, #tpu.memory_space<hbm>> -> memref<1000000x32xf32, #tpu.memory_space<hbm>>
    tpu.wait_indirect_dma semaphore(%arg12 : memref<!tpu.dma_semaphore, #tpu.memory_space<semaphore_mem>>) src(%dma_wait3A_176 : memref<1000000x32xf32, #tpu.memory_space<hbm>>) dst(%dma_wait3A_171 : memref<128x32xf32, #tpu.memory_space<vmem>>)
    %dma_wait3A_177 = arith.constant 512 : i32
    %dma_wait3A_178 = tpu.memref_slice %arg9[%dma_wait3A_177] : memref<1024xf32, #tpu.memory_space<vmem>> -> memref<128xf32, #tpu.memory_space<vmem>>
    %dma_wait3A_179 = arith.constant 512 : i32
    %dma_wait3A_180 = tpu.memref_slice %arg7[%dma_wait3A_179] : memref<1024xi32, #tpu.memory_space<vmem>> -> memref<128xi32, #tpu.memory_space<vmem>>
    %dma_wait3A_181 = arith.constant 0 : i32
    %dma_wait3A_182 = tpu.memref_slice %arg4[%dma_wait3A_181] : memref<1000000xf32, #tpu.memory_space<hbm>> -> memref<1000000xf32, #tpu.memory_space<hbm>>
    tpu.wait_indirect_dma semaphore(%arg13 : memref<!tpu.dma_semaphore, #tpu.memory_space<semaphore_mem>>) src(%dma_wait3A_182 : memref<1000000xf32, #tpu.memory_space<hbm>>) dst(%dma_wait3A_178 : memref<128xf32, #tpu.memory_space<vmem>>)
    %dma_wait3A_183 = arith.constant 640 : i32
    %dma_wait3A_184 = arith.constant 0 : i32
    %dma_wait3A_185 = tpu.memref_slice %arg8[%dma_wait3A_183, %dma_wait3A_184] : memref<1024x32xf32, #tpu.memory_space<vmem>> -> memref<128x32xf32, #tpu.memory_space<vmem>>
    %dma_wait3A_186 = arith.constant 640 : i32
    %dma_wait3A_187 = tpu.memref_slice %arg7[%dma_wait3A_186] : memref<1024xi32, #tpu.memory_space<vmem>> -> memref<128xi32, #tpu.memory_space<vmem>>
    %dma_wait3A_188 = arith.constant 0 : i32
    %dma_wait3A_189 = arith.constant 0 : i32
    %dma_wait3A_190 = tpu.memref_slice %arg5[%dma_wait3A_188, %dma_wait3A_189] : memref<1000000x32xf32, #tpu.memory_space<hbm>> -> memref<1000000x32xf32, #tpu.memory_space<hbm>>
    tpu.wait_indirect_dma semaphore(%arg12 : memref<!tpu.dma_semaphore, #tpu.memory_space<semaphore_mem>>) src(%dma_wait3A_190 : memref<1000000x32xf32, #tpu.memory_space<hbm>>) dst(%dma_wait3A_185 : memref<128x32xf32, #tpu.memory_space<vmem>>)
    %dma_wait3A_191 = arith.constant 640 : i32
    %dma_wait3A_192 = tpu.memref_slice %arg9[%dma_wait3A_191] : memref<1024xf32, #tpu.memory_space<vmem>> -> memref<128xf32, #tpu.memory_space<vmem>>
    %dma_wait3A_193 = arith.constant 640 : i32
    %dma_wait3A_194 = tpu.memref_slice %arg7[%dma_wait3A_193] : memref<1024xi32, #tpu.memory_space<vmem>> -> memref<128xi32, #tpu.memory_space<vmem>>
    %dma_wait3A_195 = arith.constant 0 : i32
    %dma_wait3A_196 = tpu.memref_slice %arg4[%dma_wait3A_195] : memref<1000000xf32, #tpu.memory_space<hbm>> -> memref<1000000xf32, #tpu.memory_space<hbm>>
    tpu.wait_indirect_dma semaphore(%arg13 : memref<!tpu.dma_semaphore, #tpu.memory_space<semaphore_mem>>) src(%dma_wait3A_196 : memref<1000000xf32, #tpu.memory_space<hbm>>) dst(%dma_wait3A_192 : memref<128xf32, #tpu.memory_space<vmem>>)
    %dma_wait3A_197 = arith.constant 768 : i32
    %dma_wait3A_198 = arith.constant 0 : i32
    %dma_wait3A_199 = tpu.memref_slice %arg8[%dma_wait3A_197, %dma_wait3A_198] : memref<1024x32xf32, #tpu.memory_space<vmem>> -> memref<128x32xf32, #tpu.memory_space<vmem>>
    %dma_wait3A_200 = arith.constant 768 : i32
    %dma_wait3A_201 = tpu.memref_slice %arg7[%dma_wait3A_200] : memref<1024xi32, #tpu.memory_space<vmem>> -> memref<128xi32, #tpu.memory_space<vmem>>
    %dma_wait3A_202 = arith.constant 0 : i32
    %dma_wait3A_203 = arith.constant 0 : i32
    %dma_wait3A_204 = tpu.memref_slice %arg5[%dma_wait3A_202, %dma_wait3A_203] : memref<1000000x32xf32, #tpu.memory_space<hbm>> -> memref<1000000x32xf32, #tpu.memory_space<hbm>>
    tpu.wait_indirect_dma semaphore(%arg12 : memref<!tpu.dma_semaphore, #tpu.memory_space<semaphore_mem>>) src(%dma_wait3A_204 : memref<1000000x32xf32, #tpu.memory_space<hbm>>) dst(%dma_wait3A_199 : memref<128x32xf32, #tpu.memory_space<vmem>>)
    %dma_wait3A_205 = arith.constant 768 : i32
    %dma_wait3A_206 = tpu.memref_slice %arg9[%dma_wait3A_205] : memref<1024xf32, #tpu.memory_space<vmem>> -> memref<128xf32, #tpu.memory_space<vmem>>
    %dma_wait3A_207 = arith.constant 768 : i32
    %dma_wait3A_208 = tpu.memref_slice %arg7[%dma_wait3A_207] : memref<1024xi32, #tpu.memory_space<vmem>> -> memref<128xi32, #tpu.memory_space<vmem>>
    %dma_wait3A_209 = arith.constant 0 : i32
    %dma_wait3A_210 = tpu.memref_slice %arg4[%dma_wait3A_209] : memref<1000000xf32, #tpu.memory_space<hbm>> -> memref<1000000xf32, #tpu.memory_space<hbm>>
    tpu.wait_indirect_dma semaphore(%arg13 : memref<!tpu.dma_semaphore, #tpu.memory_space<semaphore_mem>>) src(%dma_wait3A_210 : memref<1000000xf32, #tpu.memory_space<hbm>>) dst(%dma_wait3A_206 : memref<128xf32, #tpu.memory_space<vmem>>)
    %dma_wait3A_211 = arith.constant 896 : i32
    %dma_wait3A_212 = arith.constant 0 : i32
    %dma_wait3A_213 = tpu.memref_slice %arg8[%dma_wait3A_211, %dma_wait3A_212] : memref<1024x32xf32, #tpu.memory_space<vmem>> -> memref<128x32xf32, #tpu.memory_space<vmem>>
    %dma_wait3A_214 = arith.constant 896 : i32
    %dma_wait3A_215 = tpu.memref_slice %arg7[%dma_wait3A_214] : memref<1024xi32, #tpu.memory_space<vmem>> -> memref<128xi32, #tpu.memory_space<vmem>>
    %dma_wait3A_216 = arith.constant 0 : i32
    %dma_wait3A_217 = arith.constant 0 : i32
    %dma_wait3A_218 = tpu.memref_slice %arg5[%dma_wait3A_216, %dma_wait3A_217] : memref<1000000x32xf32, #tpu.memory_space<hbm>> -> memref<1000000x32xf32, #tpu.memory_space<hbm>>
    tpu.wait_indirect_dma semaphore(%arg12 : memref<!tpu.dma_semaphore, #tpu.memory_space<semaphore_mem>>) src(%dma_wait3A_218 : memref<1000000x32xf32, #tpu.memory_space<hbm>>) dst(%dma_wait3A_213 : memref<128x32xf32, #tpu.memory_space<vmem>>)
    %dma_wait3A_219 = arith.constant 896 : i32
    %dma_wait3A_220 = tpu.memref_slice %arg9[%dma_wait3A_219] : memref<1024xf32, #tpu.memory_space<vmem>> -> memref<128xf32, #tpu.memory_space<vmem>>
    %dma_wait3A_221 = arith.constant 896 : i32
    %dma_wait3A_222 = tpu.memref_slice %arg7[%dma_wait3A_221] : memref<1024xi32, #tpu.memory_space<vmem>> -> memref<128xi32, #tpu.memory_space<vmem>>
    %dma_wait3A_223 = arith.constant 0 : i32
    %dma_wait3A_224 = tpu.memref_slice %arg4[%dma_wait3A_223] : memref<1000000xf32, #tpu.memory_space<hbm>> -> memref<1000000xf32, #tpu.memory_space<hbm>>
    tpu.wait_indirect_dma semaphore(%arg13 : memref<!tpu.dma_semaphore, #tpu.memory_space<semaphore_mem>>) src(%dma_wait3A_224 : memref<1000000xf32, #tpu.memory_space<hbm>>) dst(%dma_wait3A_220 : memref<128xf32, #tpu.memory_space<vmem>>)
    %iota3A = tpu.iota {dimensions = array<i32: 0>} : vector<16xi32>
    %scan3A = arith.constant 0 : i32
    %scan3A_225 = arith.constant 0 : i32
    %scan3A_226 = arith.constant 32 : i32
    %scan3A_227 = arith.addi %scan3A_225, %scan3A_226 : i32
    %scan3A_228 = arith.constant 1 : i32
    scf.for %scan3A_230 = %scan3A_225 to %scan3A_227 step %scan3A_228  : i32 {
      %mul3A_231 = arith.constant 16 : i32
      %mul3A_232 = arith.muli %scan3A_230, %mul3A_231 : i32
      %add3A_233 = arith.constant 0 : i32
      %add3A_234 = arith.addi %mul3A_232, %add3A_233 : i32
      %mul3A_235 = arith.constant 16 : i32
      %mul3A_236 = arith.muli %scan3A_230, %mul3A_235 : i32
      %add3A_237 = arith.constant 512 : i32
      %add3A_238 = arith.addi %add3A_237, %mul3A_236 : i32
      %add3A_239 = arith.constant 0 : i32
      %add3A_240 = arith.addi %add3A_238, %add3A_239 : i32
      %get3A = arith.index_cast %add3A_234 : i32 to index
      %get3A_241 = arith.constant 0 : index
      %get3A_242 = tpu.vector_load %arg8[%get3A, %get3A_241] {strides = array<i32>} : memref<1024x32xf32, #tpu.memory_space<vmem>>, vector<16xf32>,
      %get3A_243 = arith.index_cast %add3A_234 : i32 to index
      %get3A_244 = arith.constant 16 : index
      %get3A_245 = tpu.vector_load %arg8[%get3A_243, %get3A_244] {strides = array<i32>} : memref<1024x32xf32, #tpu.memory_space<vmem>>, vector<16xf32>,
      %get3A_246 = arith.index_cast %add3A_240 : i32 to index
      %get3A_247 = arith.constant 0 : index
      %get3A_248 = tpu.vector_load %arg8[%get3A_246, %get3A_247] {strides = array<i32>} : memref<1024x32xf32, #tpu.memory_space<vmem>>, vector<16xf32>,
      %get3A_249 = arith.index_cast %add3A_240 : i32 to index
      %get3A_250 = arith.constant 16 : index
      %get3A_251 = tpu.vector_load %arg8[%get3A_249, %get3A_250] {strides = array<i32>} : memref<1024x32xf32, #tpu.memory_space<vmem>>, vector<16xf32>,
      %mul3A_252 = arith.mulf %get3A_242, %get3A_248 : vector<16xf32>
      %mul3A_253 = arith.mulf %get3A_245, %get3A_251 : vector<16xf32>
      %add3A_254 = arith.addf %mul3A_252, %mul3A_253 : vector<16xf32>
      %swap3A = arith.constant 0 : index
      %swap3A_255 = tpu.vector_load %arg10[%swap3A] {strides = array<i32>} : memref<256xf32, #tpu.memory_space<vmem>>, vector<16xf32>,
      tpu.vector_store %arg10[%swap3A], %add3A_254 {strides = array<i32>} : memref<256xf32, #tpu.memory_space<vmem>>, vector<16xf32>,
      %mul3A_256 = arith.constant 16 : i32
      %mul3A_257 = arith.muli %scan3A_230, %mul3A_256 : i32
      %add3A_258 = arith.constant 1 : i32
      %add3A_259 = arith.addi %mul3A_257, %add3A_258 : i32
      %mul3A_260 = arith.constant 16 : i32
      %mul3A_261 = arith.muli %scan3A_230, %mul3A_260 : i32
      %add3A_262 = arith.constant 512 : i32
      %add3A_263 = arith.addi %add3A_262, %mul3A_261 : i32
      %add3A_264 = arith.constant 1 : i32
      %add3A_265 = arith.addi %add3A_263, %add3A_264 : i32
      %get3A_266 = arith.index_cast %add3A_259 : i32 to index
      %get3A_267 = arith.constant 0 : index
      %get3A_268 = tpu.vector_load %arg8[%get3A_266, %get3A_267] {strides = array<i32>} : memref<1024x32xf32, #tpu.memory_space<vmem>>, vector<16xf32>,
      %get3A_269 = arith.index_cast %add3A_259 : i32 to index
      %get3A_270 = arith.constant 16 : index
      %get3A_271 = tpu.vector_load %arg8[%get3A_269, %get3A_270] {strides = array<i32>} : memref<1024x32xf32, #tpu.memory_space<vmem>>, vector<16xf32>,
      %get3A_272 = arith.index_cast %add3A_265 : i32 to index
      %get3A_273 = arith.constant 0 : index
      %get3A_274 = tpu.vector_load %arg8[%get3A_272, %get3A_273] {strides = array<i32>} : memref<1024x32xf32, #tpu.memory_space<vmem>>, vector<16xf32>,
      %get3A_275 = arith.index_cast %add3A_265 : i32 to index
      %get3A_276 = arith.constant 16 : index
      %get3A_277 = tpu.vector_load %arg8[%get3A_275, %get3A_276] {strides = array<i32>} : memref<1024x32xf32, #tpu.memory_space<vmem>>, vector<16xf32>,
      %mul3A_278 = arith.mulf %get3A_268, %get3A_274 : vector<16xf32>
      %mul3A_279 = arith.mulf %get3A_271, %get3A_277 : vector<16xf32>
      %add3A_280 = arith.addf %mul3A_278, %mul3A_279 : vector<16xf32>
      %swap3A_281 = arith.constant 16 : index
      %swap3A_282 = tpu.vector_load %arg10[%swap3A_281] {strides = array<i32>} : memref<256xf32, #tpu.memory_space<vmem>>, vector<16xf32>,
      tpu.vector_store %arg10[%swap3A_281], %add3A_280 {strides = array<i32>} : memref<256xf32, #tpu.memory_space<vmem>>, vector<16xf32>,
      %mul3A_283 = arith.constant 16 : i32
      %mul3A_284 = arith.muli %scan3A_230, %mul3A_283 : i32
      %add3A_285 = arith.constant 2 : i32
      %add3A_286 = arith.addi %mul3A_284, %add3A_285 : i32
      %mul3A_287 = arith.constant 16 : i32
      %mul3A_288 = arith.muli %scan3A_230, %mul3A_287 : i32
      %add3A_289 = arith.constant 512 : i32
      %add3A_290 = arith.addi %add3A_289, %mul3A_288 : i32
      %add3A_291 = arith.constant 2 : i32
      %add3A_292 = arith.addi %add3A_290, %add3A_291 : i32
      %get3A_293 = arith.index_cast %add3A_286 : i32 to index
      %get3A_294 = arith.constant 0 : index
      %get3A_295 = tpu.vector_load %arg8[%get3A_293, %get3A_294] {strides = array<i32>} : memref<1024x32xf32, #tpu.memory_space<vmem>>, vector<16xf32>,
      %get3A_296 = arith.index_cast %add3A_286 : i32 to index
      %get3A_297 = arith.constant 16 : index
      %get3A_298 = tpu.vector_load %arg8[%get3A_296, %get3A_297] {strides = array<i32>} : memref<1024x32xf32, #tpu.memory_space<vmem>>, vector<16xf32>,
      %get3A_299 = arith.index_cast %add3A_292 : i32 to index
      %get3A_300 = arith.constant 0 : index
      %get3A_301 = tpu.vector_load %arg8[%get3A_299, %get3A_300] {strides = array<i32>} : memref<1024x32xf32, #tpu.memory_space<vmem>>, vector<16xf32>,
      %get3A_302 = arith.index_cast %add3A_292 : i32 to index
      %get3A_303 = arith.constant 16 : index
      %get3A_304 = tpu.vector_load %arg8[%get3A_302, %get3A_303] {strides = array<i32>} : memref<1024x32xf32, #tpu.memory_space<vmem>>, vector<16xf32>,
      %mul3A_305 = arith.mulf %get3A_295, %get3A_301 : vector<16xf32>
      %mul3A_306 = arith.mulf %get3A_298, %get3A_304 : vector<16xf32>
      %add3A_307 = arith.addf %mul3A_305, %mul3A_306 : vector<16xf32>
      %swap3A_308 = arith.constant 32 : index
      %swap3A_309 = tpu.vector_load %arg10[%swap3A_308] {strides = array<i32>} : memref<256xf32, #tpu.memory_space<vmem>>, vector<16xf32>,
      tpu.vector_store %arg10[%swap3A_308], %add3A_307 {strides = array<i32>} : memref<256xf32, #tpu.memory_space<vmem>>, vector<16xf32>,
      %mul3A_310 = arith.constant 16 : i32
      %mul3A_311 = arith.muli %scan3A_230, %mul3A_310 : i32
      %add3A_312 = arith.constant 3 : i32
      %add3A_313 = arith.addi %mul3A_311, %add3A_312 : i32
      %mul3A_314 = arith.constant 16 : i32
      %mul3A_315 = arith.muli %scan3A_230, %mul3A_314 : i32
      %add3A_316 = arith.constant 512 : i32
      %add3A_317 = arith.addi %add3A_316, %mul3A_315 : i32
      %add3A_318 = arith.constant 3 : i32
      %add3A_319 = arith.addi %add3A_317, %add3A_318 : i32
      %get3A_320 = arith.index_cast %add3A_313 : i32 to index
      %get3A_321 = arith.constant 0 : index
      %get3A_322 = tpu.vector_load %arg8[%get3A_320, %get3A_321] {strides = array<i32>} : memref<1024x32xf32, #tpu.memory_space<vmem>>, vector<16xf32>,
      %get3A_323 = arith.index_cast %add3A_313 : i32 to index
      %get3A_324 = arith.constant 16 : index
      %get3A_325 = tpu.vector_load %arg8[%get3A_323, %get3A_324] {strides = array<i32>} : memref<1024x32xf32, #tpu.memory_space<vmem>>, vector<16xf32>,
      %get3A_326 = arith.index_cast %add3A_319 : i32 to index
      %get3A_327 = arith.constant 0 : index
      %get3A_328 = tpu.vector_load %arg8[%get3A_326, %get3A_327] {strides = array<i32>} : memref<1024x32xf32, #tpu.memory_space<vmem>>, vector<16xf32>,
      %get3A_329 = arith.index_cast %add3A_319 : i32 to index
      %get3A_330 = arith.constant 16 : index
      %get3A_331 = tpu.vector_load %arg8[%get3A_329, %get3A_330] {strides = array<i32>} : memref<1024x32xf32, #tpu.memory_space<vmem>>, vector<16xf32>,
      %mul3A_332 = arith.mulf %get3A_322, %get3A_328 : vector<16xf32>
      %mul3A_333 = arith.mulf %get3A_325, %get3A_331 : vector<16xf32>
      %add3A_334 = arith.addf %mul3A_332, %mul3A_333 : vector<16xf32>
      %swap3A_335 = arith.constant 48 : index
      %swap3A_336 = tpu.vector_load %arg10[%swap3A_335] {strides = array<i32>} : memref<256xf32, #tpu.memory_space<vmem>>, vector<16xf32>,
      tpu.vector_store %arg10[%swap3A_335], %add3A_334 {strides = array<i32>} : memref<256xf32, #tpu.memory_space<vmem>>, vector<16xf32>,
      %mul3A_337 = arith.constant 16 : i32
      %mul3A_338 = arith.muli %scan3A_230, %mul3A_337 : i32
      %add3A_339 = arith.constant 4 : i32
      %add3A_340 = arith.addi %mul3A_338, %add3A_339 : i32
      %mul3A_341 = arith.constant 16 : i32
      %mul3A_342 = arith.muli %scan3A_230, %mul3A_341 : i32
      %add3A_343 = arith.constant 512 : i32
      %add3A_344 = arith.addi %add3A_343, %mul3A_342 : i32
      %add3A_345 = arith.constant 4 : i32
      %add3A_346 = arith.addi %add3A_344, %add3A_345 : i32
      %get3A_347 = arith.index_cast %add3A_340 : i32 to index
      %get3A_348 = arith.constant 0 : index
      %get3A_349 = tpu.vector_load %arg8[%get3A_347, %get3A_348] {strides = array<i32>} : memref<1024x32xf32, #tpu.memory_space<vmem>>, vector<16xf32>,
      %get3A_350 = arith.index_cast %add3A_340 : i32 to index
      %get3A_351 = arith.constant 16 : index
      %get3A_352 = tpu.vector_load %arg8[%get3A_350, %get3A_351] {strides = array<i32>} : memref<1024x32xf32, #tpu.memory_space<vmem>>, vector<16xf32>,
      %get3A_353 = arith.index_cast %add3A_346 : i32 to index
      %get3A_354 = arith.constant 0 : index
      %get3A_355 = tpu.vector_load %arg8[%get3A_353, %get3A_354] {strides = array<i32>} : memref<1024x32xf32, #tpu.memory_space<vmem>>, vector<16xf32>,
      %get3A_356 = arith.index_cast %add3A_346 : i32 to index
      %get3A_357 = arith.constant 16 : index
      %get3A_358 = tpu.vector_load %arg8[%get3A_356, %get3A_357] {strides = array<i32>} : memref<1024x32xf32, #tpu.memory_space<vmem>>, vector<16xf32>,
      %mul3A_359 = arith.mulf %get3A_349, %get3A_355 : vector<16xf32>
      %mul3A_360 = arith.mulf %get3A_352, %get3A_358 : vector<16xf32>
      %add3A_361 = arith.addf %mul3A_359, %mul3A_360 : vector<16xf32>
      %swap3A_362 = arith.constant 64 : index
      %swap3A_363 = tpu.vector_load %arg10[%swap3A_362] {strides = array<i32>} : memref<256xf32, #tpu.memory_space<vmem>>, vector<16xf32>,
      tpu.vector_store %arg10[%swap3A_362], %add3A_361 {strides = array<i32>} : memref<256xf32, #tpu.memory_space<vmem>>, vector<16xf32>,
      %mul3A_364 = arith.constant 16 : i32
      %mul3A_365 = arith.muli %scan3A_230, %mul3A_364 : i32
      %add3A_366 = arith.constant 5 : i32
      %add3A_367 = arith.addi %mul3A_365, %add3A_366 : i32
      %mul3A_368 = arith.constant 16 : i32
      %mul3A_369 = arith.muli %scan3A_230, %mul3A_368 : i32
      %add3A_370 = arith.constant 512 : i32
      %add3A_371 = arith.addi %add3A_370, %mul3A_369 : i32
      %add3A_372 = arith.constant 5 : i32
      %add3A_373 = arith.addi %add3A_371, %add3A_372 : i32
      %get3A_374 = arith.index_cast %add3A_367 : i32 to index
      %get3A_375 = arith.constant 0 : index
      %get3A_376 = tpu.vector_load %arg8[%get3A_374, %get3A_375] {strides = array<i32>} : memref<1024x32xf32, #tpu.memory_space<vmem>>, vector<16xf32>,
      %get3A_377 = arith.index_cast %add3A_367 : i32 to index
      %get3A_378 = arith.constant 16 : index
      %get3A_379 = tpu.vector_load %arg8[%get3A_377, %get3A_378] {strides = array<i32>} : memref<1024x32xf32, #tpu.memory_space<vmem>>, vector<16xf32>,
      %get3A_380 = arith.index_cast %add3A_373 : i32 to index
      %get3A_381 = arith.constant 0 : index
      %get3A_382 = tpu.vector_load %arg8[%get3A_380, %get3A_381] {strides = array<i32>} : memref<1024x32xf32, #tpu.memory_space<vmem>>, vector<16xf32>,
      %get3A_383 = arith.index_cast %add3A_373 : i32 to index
      %get3A_384 = arith.constant 16 : index
      %get3A_385 = tpu.vector_load %arg8[%get3A_383, %get3A_384] {strides = array<i32>} : memref<1024x32xf32, #tpu.memory_space<vmem>>, vector<16xf32>,
      %mul3A_386 = arith.mulf %get3A_376, %get3A_382 : vector<16xf32>
      %mul3A_387 = arith.mulf %get3A_379, %get3A_385 : vector<16xf32>
      %add3A_388 = arith.addf %mul3A_386, %mul3A_387 : vector<16xf32>
      %swap3A_389 = arith.constant 80 : index
      %swap3A_390 = tpu.vector_load %arg10[%swap3A_389] {strides = array<i32>} : memref<256xf32, #tpu.memory_space<vmem>>, vector<16xf32>,
      tpu.vector_store %arg10[%swap3A_389], %add3A_388 {strides = array<i32>} : memref<256xf32, #tpu.memory_space<vmem>>, vector<16xf32>,
      %mul3A_391 = arith.constant 16 : i32
      %mul3A_392 = arith.muli %scan3A_230, %mul3A_391 : i32
      %add3A_393 = arith.constant 6 : i32
      %add3A_394 = arith.addi %mul3A_392, %add3A_393 : i32
      %mul3A_395 = arith.constant 16 : i32
      %mul3A_396 = arith.muli %scan3A_230, %mul3A_395 : i32
      %add3A_397 = arith.constant 512 : i32
      %add3A_398 = arith.addi %add3A_397, %mul3A_396 : i32
      %add3A_399 = arith.constant 6 : i32
      %add3A_400 = arith.addi %add3A_398, %add3A_399 : i32
      %get3A_401 = arith.index_cast %add3A_394 : i32 to index
      %get3A_402 = arith.constant 0 : index
      %get3A_403 = tpu.vector_load %arg8[%get3A_401, %get3A_402] {strides = array<i32>} : memref<1024x32xf32, #tpu.memory_space<vmem>>, vector<16xf32>,
      %get3A_404 = arith.index_cast %add3A_394 : i32 to index
      %get3A_405 = arith.constant 16 : index
      %get3A_406 = tpu.vector_load %arg8[%get3A_404, %get3A_405] {strides = array<i32>} : memref<1024x32xf32, #tpu.memory_space<vmem>>, vector<16xf32>,
      %get3A_407 = arith.index_cast %add3A_400 : i32 to index
      %get3A_408 = arith.constant 0 : index
      %get3A_409 = tpu.vector_load %arg8[%get3A_407, %get3A_408] {strides = array<i32>} : memref<1024x32xf32, #tpu.memory_space<vmem>>, vector<16xf32>,
      %get3A_410 = arith.index_cast %add3A_400 : i32 to index
      %get3A_411 = arith.constant 16 : index
      %get3A_412 = tpu.vector_load %arg8[%get3A_410, %get3A_411] {strides = array<i32>} : memref<1024x32xf32, #tpu.memory_space<vmem>>, vector<16xf32>,
      %mul3A_413 = arith.mulf %get3A_403, %get3A_409 : vector<16xf32>
      %mul3A_414 = arith.mulf %get3A_406, %get3A_412 : vector<16xf32>
      %add3A_415 = arith.addf %mul3A_413, %mul3A_414 : vector<16xf32>
      %swap3A_416 = arith.constant 96 : index
      %swap3A_417 = tpu.vector_load %arg10[%swap3A_416] {strides = array<i32>} : memref<256xf32, #tpu.memory_space<vmem>>, vector<16xf32>,
      tpu.vector_store %arg10[%swap3A_416], %add3A_415 {strides = array<i32>} : memref<256xf32, #tpu.memory_space<vmem>>, vector<16xf32>,
      %mul3A_418 = arith.constant 16 : i32
      %mul3A_419 = arith.muli %scan3A_230, %mul3A_418 : i32
      %add3A_420 = arith.constant 7 : i32
      %add3A_421 = arith.addi %mul3A_419, %add3A_420 : i32
      %mul3A_422 = arith.constant 16 : i32
      %mul3A_423 = arith.muli %scan3A_230, %mul3A_422 : i32
      %add3A_424 = arith.constant 512 : i32
      %add3A_425 = arith.addi %add3A_424, %mul3A_423 : i32
      %add3A_426 = arith.constant 7 : i32
      %add3A_427 = arith.addi %add3A_425, %add3A_426 : i32
      %get3A_428 = arith.index_cast %add3A_421 : i32 to index
      %get3A_429 = arith.constant 0 : index
      %get3A_430 = tpu.vector_load %arg8[%get3A_428, %get3A_429] {strides = array<i32>} : memref<1024x32xf32, #tpu.memory_space<vmem>>, vector<16xf32>,
      %get3A_431 = arith.index_cast %add3A_421 : i32 to index
      %get3A_432 = arith.constant 16 : index
      %get3A_433 = tpu.vector_load %arg8[%get3A_431, %get3A_432] {strides = array<i32>} : memref<1024x32xf32, #tpu.memory_space<vmem>>, vector<16xf32>,
      %get3A_434 = arith.index_cast %add3A_427 : i32 to index
      %get3A_435 = arith.constant 0 : index
      %get3A_436 = tpu.vector_load %arg8[%get3A_434, %get3A_435] {strides = array<i32>} : memref<1024x32xf32, #tpu.memory_space<vmem>>, vector<16xf32>,
      %get3A_437 = arith.index_cast %add3A_427 : i32 to index
      %get3A_438 = arith.constant 16 : index
      %get3A_439 = tpu.vector_load %arg8[%get3A_437, %get3A_438] {strides = array<i32>} : memref<1024x32xf32, #tpu.memory_space<vmem>>, vector<16xf32>,
      %mul3A_440 = arith.mulf %get3A_430, %get3A_436 : vector<16xf32>
      %mul3A_441 = arith.mulf %get3A_433, %get3A_439 : vector<16xf32>
      %add3A_442 = arith.addf %mul3A_440, %mul3A_441 : vector<16xf32>
      %swap3A_443 = arith.constant 112 : index
      %swap3A_444 = tpu.vector_load %arg10[%swap3A_443] {strides = array<i32>} : memref<256xf32, #tpu.memory_space<vmem>>, vector<16xf32>,
      tpu.vector_store %arg10[%swap3A_443], %add3A_442 {strides = array<i32>} : memref<256xf32, #tpu.memory_space<vmem>>, vector<16xf32>,
      %mul3A_445 = arith.constant 16 : i32
      %mul3A_446 = arith.muli %scan3A_230, %mul3A_445 : i32
      %add3A_447 = arith.constant 8 : i32
      %add3A_448 = arith.addi %mul3A_446, %add3A_447 : i32
      %mul3A_449 = arith.constant 16 : i32
      %mul3A_450 = arith.muli %scan3A_230, %mul3A_449 : i32
      %add3A_451 = arith.constant 512 : i32
      %add3A_452 = arith.addi %add3A_451, %mul3A_450 : i32
      %add3A_453 = arith.constant 8 : i32
      %add3A_454 = arith.addi %add3A_452, %add3A_453 : i32
      %get3A_455 = arith.index_cast %add3A_448 : i32 to index
      %get3A_456 = arith.constant 0 : index
      %get3A_457 = tpu.vector_load %arg8[%get3A_455, %get3A_456] {strides = array<i32>} : memref<1024x32xf32, #tpu.memory_space<vmem>>, vector<16xf32>,
      %get3A_458 = arith.index_cast %add3A_448 : i32 to index
      %get3A_459 = arith.constant 16 : index
      %get3A_460 = tpu.vector_load %arg8[%get3A_458, %get3A_459] {strides = array<i32>} : memref<1024x32xf32, #tpu.memory_space<vmem>>, vector<16xf32>,
      %get3A_461 = arith.index_cast %add3A_454 : i32 to index
      %get3A_462 = arith.constant 0 : index
      %get3A_463 = tpu.vector_load %arg8[%get3A_461, %get3A_462] {strides = array<i32>} : memref<1024x32xf32, #tpu.memory_space<vmem>>, vector<16xf32>,
      %get3A_464 = arith.index_cast %add3A_454 : i32 to index
      %get3A_465 = arith.constant 16 : index
      %get3A_466 = tpu.vector_load %arg8[%get3A_464, %get3A_465] {strides = array<i32>} : memref<1024x32xf32, #tpu.memory_space<vmem>>, vector<16xf32>,
      %mul3A_467 = arith.mulf %get3A_457, %get3A_463 : vector<16xf32>
      %mul3A_468 = arith.mulf %get3A_460, %get3A_466 : vector<16xf32>
      %add3A_469 = arith.addf %mul3A_467, %mul3A_468 : vector<16xf32>
      %swap3A_470 = arith.constant 128 : index
      %swap3A_471 = tpu.vector_load %arg10[%swap3A_470] {strides = array<i32>} : memref<256xf32, #tpu.memory_space<vmem>>, vector<16xf32>,
      tpu.vector_store %arg10[%swap3A_470], %add3A_469 {strides = array<i32>} : memref<256xf32, #tpu.memory_space<vmem>>, vector<16xf32>,
      %mul3A_472 = arith.constant 16 : i32
      %mul3A_473 = arith.muli %scan3A_230, %mul3A_472 : i32
      %add3A_474 = arith.constant 9 : i32
      %add3A_475 = arith.addi %mul3A_473, %add3A_474 : i32
      %mul3A_476 = arith.constant 16 : i32
      %mul3A_477 = arith.muli %scan3A_230, %mul3A_476 : i32
      %add3A_478 = arith.constant 512 : i32
      %add3A_479 = arith.addi %add3A_478, %mul3A_477 : i32
      %add3A_480 = arith.constant 9 : i32
      %add3A_481 = arith.addi %add3A_479, %add3A_480 : i32
      %get3A_482 = arith.index_cast %add3A_475 : i32 to index
      %get3A_483 = arith.constant 0 : index
      %get3A_484 = tpu.vector_load %arg8[%get3A_482, %get3A_483] {strides = array<i32>} : memref<1024x32xf32, #tpu.memory_space<vmem>>, vector<16xf32>,
      %get3A_485 = arith.index_cast %add3A_475 : i32 to index
      %get3A_486 = arith.constant 16 : index
      %get3A_487 = tpu.vector_load %arg8[%get3A_485, %get3A_486] {strides = array<i32>} : memref<1024x32xf32, #tpu.memory_space<vmem>>, vector<16xf32>,
      %get3A_488 = arith.index_cast %add3A_481 : i32 to index
      %get3A_489 = arith.constant 0 : index
      %get3A_490 = tpu.vector_load %arg8[%get3A_488, %get3A_489] {strides = array<i32>} : memref<1024x32xf32, #tpu.memory_space<vmem>>, vector<16xf32>,
      %get3A_491 = arith.index_cast %add3A_481 : i32 to index
      %get3A_492 = arith.constant 16 : index
      %get3A_493 = tpu.vector_load %arg8[%get3A_491, %get3A_492] {strides = array<i32>} : memref<1024x32xf32, #tpu.memory_space<vmem>>, vector<16xf32>,
      %mul3A_494 = arith.mulf %get3A_484, %get3A_490 : vector<16xf32>
      %mul3A_495 = arith.mulf %get3A_487, %get3A_493 : vector<16xf32>
      %add3A_496 = arith.addf %mul3A_494, %mul3A_495 : vector<16xf32>
      %swap3A_497 = arith.constant 144 : index
      %swap3A_498 = tpu.vector_load %arg10[%swap3A_497] {strides = array<i32>} : memref<256xf32, #tpu.memory_space<vmem>>, vector<16xf32>,
      tpu.vector_store %arg10[%swap3A_497], %add3A_496 {strides = array<i32>} : memref<256xf32, #tpu.memory_space<vmem>>, vector<16xf32>,
      %mul3A_499 = arith.constant 16 : i32
      %mul3A_500 = arith.muli %scan3A_230, %mul3A_499 : i32
      %add3A_501 = arith.constant 10 : i32
      %add3A_502 = arith.addi %mul3A_500, %add3A_501 : i32
      %mul3A_503 = arith.constant 16 : i32
      %mul3A_504 = arith.muli %scan3A_230, %mul3A_503 : i32
      %add3A_505 = arith.constant 512 : i32
      %add3A_506 = arith.addi %add3A_505, %mul3A_504 : i32
      %add3A_507 = arith.constant 10 : i32
      %add3A_508 = arith.addi %add3A_506, %add3A_507 : i32
      %get3A_509 = arith.index_cast %add3A_502 : i32 to index
      %get3A_510 = arith.constant 0 : index
      %get3A_511 = tpu.vector_load %arg8[%get3A_509, %get3A_510] {strides = array<i32>} : memref<1024x32xf32, #tpu.memory_space<vmem>>, vector<16xf32>,
      %get3A_512 = arith.index_cast %add3A_502 : i32 to index
      %get3A_513 = arith.constant 16 : index
      %get3A_514 = tpu.vector_load %arg8[%get3A_512, %get3A_513] {strides = array<i32>} : memref<1024x32xf32, #tpu.memory_space<vmem>>, vector<16xf32>,
      %get3A_515 = arith.index_cast %add3A_508 : i32 to index
      %get3A_516 = arith.constant 0 : index
      %get3A_517 = tpu.vector_load %arg8[%get3A_515, %get3A_516] {strides = array<i32>} : memref<1024x32xf32, #tpu.memory_space<vmem>>, vector<16xf32>,
      %get3A_518 = arith.index_cast %add3A_508 : i32 to index
      %get3A_519 = arith.constant 16 : index
      %get3A_520 = tpu.vector_load %arg8[%get3A_518, %get3A_519] {strides = array<i32>} : memref<1024x32xf32, #tpu.memory_space<vmem>>, vector<16xf32>,
      %mul3A_521 = arith.mulf %get3A_511, %get3A_517 : vector<16xf32>
      %mul3A_522 = arith.mulf %get3A_514, %get3A_520 : vector<16xf32>
      %add3A_523 = arith.addf %mul3A_521, %mul3A_522 : vector<16xf32>
      %swap3A_524 = arith.constant 160 : index
      %swap3A_525 = tpu.vector_load %arg10[%swap3A_524] {strides = array<i32>} : memref<256xf32, #tpu.memory_space<vmem>>, vector<16xf32>,
      tpu.vector_store %arg10[%swap3A_524], %add3A_523 {strides = array<i32>} : memref<256xf32, #tpu.memory_space<vmem>>, vector<16xf32>,
      %mul3A_526 = arith.constant 16 : i32
      %mul3A_527 = arith.muli %scan3A_230, %mul3A_526 : i32
      %add3A_528 = arith.constant 11 : i32
      %add3A_529 = arith.addi %mul3A_527, %add3A_528 : i32
      %mul3A_530 = arith.constant 16 : i32
      %mul3A_531 = arith.muli %scan3A_230, %mul3A_530 : i32
      %add3A_532 = arith.constant 512 : i32
      %add3A_533 = arith.addi %add3A_532, %mul3A_531 : i32
      %add3A_534 = arith.constant 11 : i32
      %add3A_535 = arith.addi %add3A_533, %add3A_534 : i32
      %get3A_536 = arith.index_cast %add3A_529 : i32 to index
      %get3A_537 = arith.constant 0 : index
      %get3A_538 = tpu.vector_load %arg8[%get3A_536, %get3A_537] {strides = array<i32>} : memref<1024x32xf32, #tpu.memory_space<vmem>>, vector<16xf32>,
      %get3A_539 = arith.index_cast %add3A_529 : i32 to index
      %get3A_540 = arith.constant 16 : index
      %get3A_541 = tpu.vector_load %arg8[%get3A_539, %get3A_540] {strides = array<i32>} : memref<1024x32xf32, #tpu.memory_space<vmem>>, vector<16xf32>,
      %get3A_542 = arith.index_cast %add3A_535 : i32 to index
      %get3A_543 = arith.constant 0 : index
      %get3A_544 = tpu.vector_load %arg8[%get3A_542, %get3A_543] {strides = array<i32>} : memref<1024x32xf32, #tpu.memory_space<vmem>>, vector<16xf32>,
      %get3A_545 = arith.index_cast %add3A_535 : i32 to index
      %get3A_546 = arith.constant 16 : index
      %get3A_547 = tpu.vector_load %arg8[%get3A_545, %get3A_546] {strides = array<i32>} : memref<1024x32xf32, #tpu.memory_space<vmem>>, vector<16xf32>,
      %mul3A_548 = arith.mulf %get3A_538, %get3A_544 : vector<16xf32>
      %mul3A_549 = arith.mulf %get3A_541, %get3A_547 : vector<16xf32>
      %add3A_550 = arith.addf %mul3A_548, %mul3A_549 : vector<16xf32>
      %swap3A_551 = arith.constant 176 : index
      %swap3A_552 = tpu.vector_load %arg10[%swap3A_551] {strides = array<i32>} : memref<256xf32, #tpu.memory_space<vmem>>, vector<16xf32>,
      tpu.vector_store %arg10[%swap3A_551], %add3A_550 {strides = array<i32>} : memref<256xf32, #tpu.memory_space<vmem>>, vector<16xf32>,
      %mul3A_553 = arith.constant 16 : i32
      %mul3A_554 = arith.muli %scan3A_230, %mul3A_553 : i32
      %add3A_555 = arith.constant 12 : i32
      %add3A_556 = arith.addi %mul3A_554, %add3A_555 : i32
      %mul3A_557 = arith.constant 16 : i32
      %mul3A_558 = arith.muli %scan3A_230, %mul3A_557 : i32
      %add3A_559 = arith.constant 512 : i32
      %add3A_560 = arith.addi %add3A_559, %mul3A_558 : i32
      %add3A_561 = arith.constant 12 : i32
      %add3A_562 = arith.addi %add3A_560, %add3A_561 : i32
      %get3A_563 = arith.index_cast %add3A_556 : i32 to index
      %get3A_564 = arith.constant 0 : index
      %get3A_565 = tpu.vector_load %arg8[%get3A_563, %get3A_564] {strides = array<i32>} : memref<1024x32xf32, #tpu.memory_space<vmem>>, vector<16xf32>,
      %get3A_566 = arith.index_cast %add3A_556 : i32 to index
      %get3A_567 = arith.constant 16 : index
      %get3A_568 = tpu.vector_load %arg8[%get3A_566, %get3A_567] {strides = array<i32>} : memref<1024x32xf32, #tpu.memory_space<vmem>>, vector<16xf32>,
      %get3A_569 = arith.index_cast %add3A_562 : i32 to index
      %get3A_570 = arith.constant 0 : index
      %get3A_571 = tpu.vector_load %arg8[%get3A_569, %get3A_570] {strides = array<i32>} : memref<1024x32xf32, #tpu.memory_space<vmem>>, vector<16xf32>,
      %get3A_572 = arith.index_cast %add3A_562 : i32 to index
      %get3A_573 = arith.constant 16 : index
      %get3A_574 = tpu.vector_load %arg8[%get3A_572, %get3A_573] {strides = array<i32>} : memref<1024x32xf32, #tpu.memory_space<vmem>>, vector<16xf32>,
      %mul3A_575 = arith.mulf %get3A_565, %get3A_571 : vector<16xf32>
      %mul3A_576 = arith.mulf %get3A_568, %get3A_574 : vector<16xf32>
      %add3A_577 = arith.addf %mul3A_575, %mul3A_576 : vector<16xf32>
      %swap3A_578 = arith.constant 192 : index
      %swap3A_579 = tpu.vector_load %arg10[%swap3A_578] {strides = array<i32>} : memref<256xf32, #tpu.memory_space<vmem>>, vector<16xf32>,
      tpu.vector_store %arg10[%swap3A_578], %add3A_577 {strides = array<i32>} : memref<256xf32, #tpu.memory_space<vmem>>, vector<16xf32>,
      %mul3A_580 = arith.constant 16 : i32
      %mul3A_581 = arith.muli %scan3A_230, %mul3A_580 : i32
      %add3A_582 = arith.constant 13 : i32
      %add3A_583 = arith.addi %mul3A_581, %add3A_582 : i32
      %mul3A_584 = arith.constant 16 : i32
      %mul3A_585 = arith.muli %scan3A_230, %mul3A_584 : i32
      %add3A_586 = arith.constant 512 : i32
      %add3A_587 = arith.addi %add3A_586, %mul3A_585 : i32
      %add3A_588 = arith.constant 13 : i32
      %add3A_589 = arith.addi %add3A_587, %add3A_588 : i32
      %get3A_590 = arith.index_cast %add3A_583 : i32 to index
      %get3A_591 = arith.constant 0 : index
      %get3A_592 = tpu.vector_load %arg8[%get3A_590, %get3A_591] {strides = array<i32>} : memref<1024x32xf32, #tpu.memory_space<vmem>>, vector<16xf32>,
      %get3A_593 = arith.index_cast %add3A_583 : i32 to index
      %get3A_594 = arith.constant 16 : index
      %get3A_595 = tpu.vector_load %arg8[%get3A_593, %get3A_594] {strides = array<i32>} : memref<1024x32xf32, #tpu.memory_space<vmem>>, vector<16xf32>,
      %get3A_596 = arith.index_cast %add3A_589 : i32 to index
      %get3A_597 = arith.constant 0 : index
      %get3A_598 = tpu.vector_load %arg8[%get3A_596, %get3A_597] {strides = array<i32>} : memref<1024x32xf32, #tpu.memory_space<vmem>>, vector<16xf32>,
      %get3A_599 = arith.index_cast %add3A_589 : i32 to index
      %get3A_600 = arith.constant 16 : index
      %get3A_601 = tpu.vector_load %arg8[%get3A_599, %get3A_600] {strides = array<i32>} : memref<1024x32xf32, #tpu.memory_space<vmem>>, vector<16xf32>,
      %mul3A_602 = arith.mulf %get3A_592, %get3A_598 : vector<16xf32>
      %mul3A_603 = arith.mulf %get3A_595, %get3A_601 : vector<16xf32>
      %add3A_604 = arith.addf %mul3A_602, %mul3A_603 : vector<16xf32>
      %swap3A_605 = arith.constant 208 : index
      %swap3A_606 = tpu.vector_load %arg10[%swap3A_605] {strides = array<i32>} : memref<256xf32, #tpu.memory_space<vmem>>, vector<16xf32>,
      tpu.vector_store %arg10[%swap3A_605], %add3A_604 {strides = array<i32>} : memref<256xf32, #tpu.memory_space<vmem>>, vector<16xf32>,
      %mul3A_607 = arith.constant 16 : i32
      %mul3A_608 = arith.muli %scan3A_230, %mul3A_607 : i32
      %add3A_609 = arith.constant 14 : i32
      %add3A_610 = arith.addi %mul3A_608, %add3A_609 : i32
      %mul3A_611 = arith.constant 16 : i32
      %mul3A_612 = arith.muli %scan3A_230, %mul3A_611 : i32
      %add3A_613 = arith.constant 512 : i32
      %add3A_614 = arith.addi %add3A_613, %mul3A_612 : i32
      %add3A_615 = arith.constant 14 : i32
      %add3A_616 = arith.addi %add3A_614, %add3A_615 : i32
      %get3A_617 = arith.index_cast %add3A_610 : i32 to index
      %get3A_618 = arith.constant 0 : index
      %get3A_619 = tpu.vector_load %arg8[%get3A_617, %get3A_618] {strides = array<i32>} : memref<1024x32xf32, #tpu.memory_space<vmem>>, vector<16xf32>,
      %get3A_620 = arith.index_cast %add3A_610 : i32 to index
      %get3A_621 = arith.constant 16 : index
      %get3A_622 = tpu.vector_load %arg8[%get3A_620, %get3A_621] {strides = array<i32>} : memref<1024x32xf32, #tpu.memory_space<vmem>>, vector<16xf32>,
      %get3A_623 = arith.index_cast %add3A_616 : i32 to index
      %get3A_624 = arith.constant 0 : index
      %get3A_625 = tpu.vector_load %arg8[%get3A_623, %get3A_624] {strides = array<i32>} : memref<1024x32xf32, #tpu.memory_space<vmem>>, vector<16xf32>,
      %get3A_626 = arith.index_cast %add3A_616 : i32 to index
      %get3A_627 = arith.constant 16 : index
      %get3A_628 = tpu.vector_load %arg8[%get3A_626, %get3A_627] {strides = array<i32>} : memref<1024x32xf32, #tpu.memory_space<vmem>>, vector<16xf32>,
      %mul3A_629 = arith.mulf %get3A_619, %get3A_625 : vector<16xf32>
      %mul3A_630 = arith.mulf %get3A_622, %get3A_628 : vector<16xf32>
      %add3A_631 = arith.addf %mul3A_629, %mul3A_630 : vector<16xf32>
      %swap3A_632 = arith.constant 224 : index
      %swap3A_633 = tpu.vector_load %arg10[%swap3A_632] {strides = array<i32>} : memref<256xf32, #tpu.memory_space<vmem>>, vector<16xf32>,
      tpu.vector_store %arg10[%swap3A_632], %add3A_631 {strides = array<i32>} : memref<256xf32, #tpu.memory_space<vmem>>, vector<16xf32>,
      %mul3A_634 = arith.constant 16 : i32
      %mul3A_635 = arith.muli %scan3A_230, %mul3A_634 : i32
      %add3A_636 = arith.constant 15 : i32
      %add3A_637 = arith.addi %mul3A_635, %add3A_636 : i32
      %mul3A_638 = arith.constant 16 : i32
      %mul3A_639 = arith.muli %scan3A_230, %mul3A_638 : i32
      %add3A_640 = arith.constant 512 : i32
      %add3A_641 = arith.addi %add3A_640, %mul3A_639 : i32
      %add3A_642 = arith.constant 15 : i32
      %add3A_643 = arith.addi %add3A_641, %add3A_642 : i32
      %get3A_644 = arith.index_cast %add3A_637 : i32 to index
      %get3A_645 = arith.constant 0 : index
      %get3A_646 = tpu.vector_load %arg8[%get3A_644, %get3A_645] {strides = array<i32>} : memref<1024x32xf32, #tpu.memory_space<vmem>>, vector<16xf32>,
      %get3A_647 = arith.index_cast %add3A_637 : i32 to index
      %get3A_648 = arith.constant 16 : index
      %get3A_649 = tpu.vector_load %arg8[%get3A_647, %get3A_648] {strides = array<i32>} : memref<1024x32xf32, #tpu.memory_space<vmem>>, vector<16xf32>,
      %get3A_650 = arith.index_cast %add3A_643 : i32 to index
      %get3A_651 = arith.constant 0 : index
      %get3A_652 = tpu.vector_load %arg8[%get3A_650, %get3A_651] {strides = array<i32>} : memref<1024x32xf32, #tpu.memory_space<vmem>>, vector<16xf32>,
      %get3A_653 = arith.index_cast %add3A_643 : i32 to index
      %get3A_654 = arith.constant 16 : index
      %get3A_655 = tpu.vector_load %arg8[%get3A_653, %get3A_654] {strides = array<i32>} : memref<1024x32xf32, #tpu.memory_space<vmem>>, vector<16xf32>,
      %mul3A_656 = arith.mulf %get3A_646, %get3A_652 : vector<16xf32>
      %mul3A_657 = arith.mulf %get3A_649, %get3A_655 : vector<16xf32>
      %add3A_658 = arith.addf %mul3A_656, %mul3A_657 : vector<16xf32>
      %swap3A_659 = arith.constant 240 : index
      %swap3A_660 = tpu.vector_load %arg10[%swap3A_659] {strides = array<i32>} : memref<256xf32, #tpu.memory_space<vmem>>, vector<16xf32>,
      tpu.vector_store %arg10[%swap3A_659], %add3A_658 {strides = array<i32>} : memref<256xf32, #tpu.memory_space<vmem>>, vector<16xf32>,
      %broadcast_in_dim3A = arith.constant 0.000000e+00 : f32
      %broadcast_in_dim3A_661 = vector.broadcast %broadcast_in_dim3A : f32 to vector<16xf32>
      %mul3A_662 = arith.constant 16 : i32
      %mul3A_663 = vector.broadcast %mul3A_662 : i32 to vector<16xi32>
      %mul3A_664 = arith.muli %iota3A, %mul3A_663 : vector<16xi32>
      %add3A_665 = arith.constant 0 : i32
      %add3A_666 = vector.broadcast %add3A_665 : i32 to vector<16xi32>
      %add3A_667 = arith.addi %mul3A_664, %add3A_666 : vector<16xi32>
      %gather3A = tpu.vector_load_idx %arg10[%add3A_667] : memref<256xf32, #tpu.memory_space<vmem>>[vector<16xi32>], vector<16xf32>,
      %add3A_668 = arith.addf %broadcast_in_dim3A_661, %gather3A : vector<16xf32>
      %add3A_669 = arith.constant 1 : i32
      %add3A_670 = vector.broadcast %add3A_669 : i32 to vector<16xi32>
      %add3A_671 = arith.addi %mul3A_664, %add3A_670 : vector<16xi32>
      %gather3A_672 = tpu.vector_load_idx %arg10[%add3A_671] : memref<256xf32, #tpu.memory_space<vmem>>[vector<16xi32>], vector<16xf32>,
      %add3A_673 = arith.addf %add3A_668, %gather3A_672 : vector<16xf32>
      %add3A_674 = arith.constant 2 : i32
      %add3A_675 = vector.broadcast %add3A_674 : i32 to vector<16xi32>
      %add3A_676 = arith.addi %mul3A_664, %add3A_675 : vector<16xi32>
      %gather3A_677 = tpu.vector_load_idx %arg10[%add3A_676] : memref<256xf32, #tpu.memory_space<vmem>>[vector<16xi32>], vector<16xf32>,
      %add3A_678 = arith.addf %add3A_673, %gather3A_677 : vector<16xf32>
      %add3A_679 = arith.constant 3 : i32
      %add3A_680 = vector.broadcast %add3A_679 : i32 to vector<16xi32>
      %add3A_681 = arith.addi %mul3A_664, %add3A_680 : vector<16xi32>
      %gather3A_682 = tpu.vector_load_idx %arg10[%add3A_681] : memref<256xf32, #tpu.memory_space<vmem>>[vector<16xi32>], vector<16xf32>,
      %add3A_683 = arith.addf %add3A_678, %gather3A_682 : vector<16xf32>
      %add3A_684 = arith.constant 4 : i32
      %add3A_685 = vector.broadcast %add3A_684 : i32 to vector<16xi32>
      %add3A_686 = arith.addi %mul3A_664, %add3A_685 : vector<16xi32>
      %gather3A_687 = tpu.vector_load_idx %arg10[%add3A_686] : memref<256xf32, #tpu.memory_space<vmem>>[vector<16xi32>], vector<16xf32>,
      %add3A_688 = arith.addf %add3A_683, %gather3A_687 : vector<16xf32>
      %add3A_689 = arith.constant 5 : i32
      %add3A_690 = vector.broadcast %add3A_689 : i32 to vector<16xi32>
      %add3A_691 = arith.addi %mul3A_664, %add3A_690 : vector<16xi32>
      %gather3A_692 = tpu.vector_load_idx %arg10[%add3A_691] : memref<256xf32, #tpu.memory_space<vmem>>[vector<16xi32>], vector<16xf32>,
      %add3A_693 = arith.addf %add3A_688, %gather3A_692 : vector<16xf32>
      %add3A_694 = arith.constant 6 : i32
      %add3A_695 = vector.broadcast %add3A_694 : i32 to vector<16xi32>
      %add3A_696 = arith.addi %mul3A_664, %add3A_695 : vector<16xi32>
      %gather3A_697 = tpu.vector_load_idx %arg10[%add3A_696] : memref<256xf32, #tpu.memory_space<vmem>>[vector<16xi32>], vector<16xf32>,
      %add3A_698 = arith.addf %add3A_693, %gather3A_697 : vector<16xf32>
      %add3A_699 = arith.constant 7 : i32
      %add3A_700 = vector.broadcast %add3A_699 : i32 to vector<16xi32>
      %add3A_701 = arith.addi %mul3A_664, %add3A_700 : vector<16xi32>
      %gather3A_702 = tpu.vector_load_idx %arg10[%add3A_701] : memref<256xf32, #tpu.memory_space<vmem>>[vector<16xi32>], vector<16xf32>,
      %add3A_703 = arith.addf %add3A_698, %gather3A_702 : vector<16xf32>
      %add3A_704 = arith.constant 8 : i32
      %add3A_705 = vector.broadcast %add3A_704 : i32 to vector<16xi32>
      %add3A_706 = arith.addi %mul3A_664, %add3A_705 : vector<16xi32>
      %gather3A_707 = tpu.vector_load_idx %arg10[%add3A_706] : memref<256xf32, #tpu.memory_space<vmem>>[vector<16xi32>], vector<16xf32>,
      %add3A_708 = arith.addf %add3A_703, %gather3A_707 : vector<16xf32>
      %add3A_709 = arith.constant 9 : i32
      %add3A_710 = vector.broadcast %add3A_709 : i32 to vector<16xi32>
      %add3A_711 = arith.addi %mul3A_664, %add3A_710 : vector<16xi32>
      %gather3A_712 = tpu.vector_load_idx %arg10[%add3A_711] : memref<256xf32, #tpu.memory_space<vmem>>[vector<16xi32>], vector<16xf32>,
      %add3A_713 = arith.addf %add3A_708, %gather3A_712 : vector<16xf32>
      %add3A_714 = arith.constant 10 : i32
      %add3A_715 = vector.broadcast %add3A_714 : i32 to vector<16xi32>
      %add3A_716 = arith.addi %mul3A_664, %add3A_715 : vector<16xi32>
      %gather3A_717 = tpu.vector_load_idx %arg10[%add3A_716] : memref<256xf32, #tpu.memory_space<vmem>>[vector<16xi32>], vector<16xf32>,
      %add3A_718 = arith.addf %add3A_713, %gather3A_717 : vector<16xf32>
      %add3A_719 = arith.constant 11 : i32
      %add3A_720 = vector.broadcast %add3A_719 : i32 to vector<16xi32>
      %add3A_721 = arith.addi %mul3A_664, %add3A_720 : vector<16xi32>
      %gather3A_722 = tpu.vector_load_idx %arg10[%add3A_721] : memref<256xf32, #tpu.memory_space<vmem>>[vector<16xi32>], vector<16xf32>,
      %add3A_723 = arith.addf %add3A_718, %gather3A_722 : vector<16xf32>
      %add3A_724 = arith.constant 12 : i32
      %add3A_725 = vector.broadcast %add3A_724 : i32 to vector<16xi32>
      %add3A_726 = arith.addi %mul3A_664, %add3A_725 : vector<16xi32>
      %gather3A_727 = tpu.vector_load_idx %arg10[%add3A_726] : memref<256xf32, #tpu.memory_space<vmem>>[vector<16xi32>], vector<16xf32>,
      %add3A_728 = arith.addf %add3A_723, %gather3A_727 : vector<16xf32>
      %add3A_729 = arith.constant 13 : i32
      %add3A_730 = vector.broadcast %add3A_729 : i32 to vector<16xi32>
      %add3A_731 = arith.addi %mul3A_664, %add3A_730 : vector<16xi32>
      %gather3A_732 = tpu.vector_load_idx %arg10[%add3A_731] : memref<256xf32, #tpu.memory_space<vmem>>[vector<16xi32>], vector<16xf32>,
      %add3A_733 = arith.addf %add3A_728, %gather3A_732 : vector<16xf32>
      %add3A_734 = arith.constant 14 : i32
      %add3A_735 = vector.broadcast %add3A_734 : i32 to vector<16xi32>
      %add3A_736 = arith.addi %mul3A_664, %add3A_735 : vector<16xi32>
      %gather3A_737 = tpu.vector_load_idx %arg10[%add3A_736] : memref<256xf32, #tpu.memory_space<vmem>>[vector<16xi32>], vector<16xf32>,
      %add3A_738 = arith.addf %add3A_733, %gather3A_737 : vector<16xf32>
      %add3A_739 = arith.constant 15 : i32
      %add3A_740 = vector.broadcast %add3A_739 : i32 to vector<16xi32>
      %add3A_741 = arith.addi %mul3A_664, %add3A_740 : vector<16xi32>
      %gather3A_742 = tpu.vector_load_idx %arg10[%add3A_741] : memref<256xf32, #tpu.memory_space<vmem>>[vector<16xi32>], vector<16xf32>,
      %add3A_743 = arith.addf %add3A_738, %gather3A_742 : vector<16xf32>
      %mul3A_744 = arith.constant 16 : i32
      %mul3A_745 = arith.muli %scan3A_230, %mul3A_744 : i32
      %get3A_746 = arith.index_cast %mul3A_745 : i32 to index
      %get3A_747 = tpu.vector_load %arg9[%get3A_746] {strides = array<i32>} : memref<1024xf32, #tpu.memory_space<vmem>>, vector<16xf32>,
      %add3A_748 = arith.addf %add3A_743, %get3A_747 : vector<16xf32>
      %mul3A_749 = arith.constant 16 : i32
      %mul3A_750 = arith.muli %scan3A_230, %mul3A_749 : i32
      %add3A_751 = arith.constant 512 : i32
      %add3A_752 = arith.addi %add3A_751, %mul3A_750 : i32
      %get3A_753 = arith.index_cast %add3A_752 : i32 to index
      %get3A_754 = tpu.vector_load %arg9[%get3A_753] {strides = array<i32>} : memref<1024xf32, #tpu.memory_space<vmem>>, vector<16xf32>,
      %add3A_755 = arith.addf %add3A_748, %get3A_754 : vector<16xf32>
      %mul3A_756 = arith.constant 16 : i32
      %mul3A_757 = arith.muli %scan3A_230, %mul3A_756 : i32
      %swap3A_758 = arith.index_cast %mul3A_757 : i32 to index
      %swap3A_759 = tpu.vector_load %arg11[%swap3A_758] {strides = array<i32>} : memref<512xf32, #tpu.memory_space<vmem>>, vector<16xf32>,
      tpu.vector_store %arg11[%swap3A_758], %add3A_755 {strides = array<i32>} : memref<512xf32, #tpu.memory_space<vmem>>, vector<16xf32>,
    }
    %scan3A_229 = arith.constant 32 : i32
    "tpu.region"() ({
      %run_scoped3A = tpu.sem_alloc : memref<!tpu.dma_semaphore, #tpu.memory_space<semaphore_mem>>
      %dma_start3A_230 = tpu.memref_slice %arg6[%mul3A_2] : memref<16384xf32, #tpu.memory_space<hbm>> -> memref<512xf32, #tpu.memory_space<hbm>>
      %dma_start3A_231 = tpu.memref_slice %arg6[%mul3A_2] : memref<16384xf32, #tpu.memory_space<hbm>> -> memref<512xf32, #tpu.memory_space<hbm>>
      tpu.enqueue_dma source(%arg11 : memref<512xf32, #tpu.memory_space<vmem>>) target(%dma_start3A_231 : memref<512xf32, #tpu.memory_space<hbm>>) target_semaphore(%run_scoped3A : memref<!tpu.dma_semaphore, #tpu.memory_space<semaphore_mem>>)
      %dma_wait3A_232 = tpu.memref_slice %arg6[%mul3A_2] : memref<16384xf32, #tpu.memory_space<hbm>> -> memref<512xf32, #tpu.memory_space<hbm>>
      %dma_wait3A_233 = tpu.memref_slice %arg6[%mul3A_2] : memref<16384xf32, #tpu.memory_space<hbm>> -> memref<512xf32, #tpu.memory_space<hbm>>
      tpu.wait_dma2 semaphore(%run_scoped3A : memref<!tpu.dma_semaphore, #tpu.memory_space<semaphore_mem>>) src(%arg11 : memref<512xf32, #tpu.memory_space<vmem>>) dst(%dma_wait3A_233 : memref<512xf32, #tpu.memory_space<hbm>>)
      tpu.yield
    }) : () -> ()
    return
  }
}

</mosaic_0001>

<sc_bundles>
// kernel: kernel.3.cloned.1.call-start
scs
__scs_entry_jumppad:
0x0: {  	(pc) =	sbr.rel $0x88, $3  }
0x1: {  	(tag) =	ssettag $0x0;
	lr =	simm.s32 $0x1  }
0x2: {  	[smem:$0x3F9E] =	sst lr;
	_ =	strace $0xD0000000  }
0x3: {  	_ = 	snop  }
0x4: {  	_ = 	snop  }
0x5: {  	_ = 	snop  }
0x6: {  	_ = 	snop  }
0x7: {  	_ = 	snop  }
__scs_overlays_trampoline_lowered:
0x8: {  	[smem:$0x3FAD] =	sst s0  }
0x9: {  	[smem:$0x3FAE] =	sst s1  }
0xa: {  	[smem:$0x3FAF] =	sst s2  }
0xb: {  	[smem:$0x3FB0] =	sst s3  }
0xc: {  	[smem:$0x3FB1] =	sst s4  }
0xd: {  	[smem:$0x3FB2] =	sst s5  }
0xe: {  	[smem:$0x3FB3] =	sst s6  }
0xf: {  	[smem:$0x3FB4] =	sst s7  }
0x10: {  	[smem:$0x3FB5] =	sst s8  }
0x11: {  	[smem:$0x3FB6] =	sst s9;
	s0 =	simm.s32 @!p0 $0x0  }
0x12: {  	s1 =	sld [smem:$0x3F9C];
	s0 =	simm.s32 @p0 $0x1  }
0x13: {  	[smem:$0x3FB7] =	sst s0;
	s0 =	simm.s32 @!p1 $0x0  }
0x14: {  	s2 =	sld [smem:$0x3F9B];
	s0 =	simm.s32 @p1 $0x1  }
0x15: {  	[smem:$0x3FB8] =	sst s0;
	s0 =	simm.s32 @!p2 $0x0  }
0x16: {  	s3 =	sld [smem:$0x3FDB];
	s0 =	simm.s32 @p2 $0x1  }
0x17: {  	s4 =	simm.s32 $0x1BF5;
	[smem:$0x3FBA] =	sst s0  }
0x18: {  	s0 =	sld [smem:$0x3F9D];
	_ =	swait.ge [sflag:s4], $0x0  }
0x19: {  	s7 =	sld [smem:$0x3F9E]  }
0x1a: {  	s8 =	sadd.s32 $0xFFFFE003, lr  }
0x1b: {  	s9 =	sadd.s32 $0xFFFFFEF7, lr;
	s5 =	simm.s32 $0xFFFFFFFF;
	p2 =	slt.u32 s8, $0xFFFFF086  }
0x1c: {  	p1 =	slt.u32 s9, $0xF7A;
	s5 =	simm.s32 @!p2 $0x0  }
0x1d: {  	s5 =	simm.s32 @p1 $0x1;
	p0 =	seq.s32 s7, s2  }
0x1e: {  	s7 =	smul.u32 @!p0 $0xF7A, s2;
	p2 =	seq.s32 @!p0 s5, $0x0  }
0x1f: {  	s9 =	smul.u32 $0xF7A, s1;
	s8 =	simm.s32 @!p0 $0x1BF5;
	p2 =	por !p2, p0  }
0x20: {  	[sflag:s8] =	ssyncset.s32 @!p0 $0xFFFFF086;
	s6 =	sadd.s32 @!p0 s3, s7;
	s7 =	simm.s32 @!p0 $0x108  }
0x21: {  	s3 =	sadd.s32 s3, s9;
	s6 =	sadd.s32 @!p0 $0x88, s6;
	s7 =	simm.s32 @p2 $0x1082  }
0x22: {  	[simem:s7], [sflag:s8] =	dma.local @!p0 [hbm:s6], $0xF7A  }
0x23: {  	s9 =	sor.u32 $0xD0000000, s2;
	s6 =	simm.s32 $0x108;
	_ =	swait.ge @!p0 [sflag:s8], $0x0  }
0x24: {  	s3 =	sadd.s32 $0x88, s3;
	s6 =	simm.s32 @!p1 $0x1082;
	[sflag:s4] =	ssyncset.s32 $0xFFFFF086  }
0x25: {  	[simem:s6], [sflag:s4] =	dma.local [hbm:s3], $0xF7A  }
0x26: {  	[smem:$0x3F9E] =	sst s1;
	(tag) =	ssettag s2;
	_ =	strace s9  }
0x27: {  	s1 =	sld [smem:$0x3FAE]  }
0x28: {  	s2 =	sld [smem:$0x3FAF]  }
0x29: {  	s4 =	sld [smem:$0x3FB1]  }
0x2a: {  	p0 =	seq.s32 s5, $0x0;
	s5 =	sld [smem:$0x3FB2]  }
0x2b: {  	s6 =	sld [smem:$0x3FB3]  }
0x2c: {  	s7 =	sld [smem:$0x3FB4]  }
0x2d: {  	s3 =	simm.s32 $0x108;
	s8 =	sld [smem:$0x3FB5]  }
0x2e: {  	s3 =	simm.s32 @!p0 $0x1082;
	s9 =	sld [smem:$0x3FB6]  }
0x2f: {  	lr =	sadd.s32 s0, s3;
	s0 =	sld [smem:$0x3FAD]  }
0x30: {  	s3 =	sld [smem:$0x3FB0]  }
0x31: {  	[smem:$0x3FB9] =	sst s10  }
0x32: {  	s10 =	sld [smem:$0x3FB7];
	_ =	sdelay $0x3  }
0x33: {  	p0 =	seq.s32 s10, $0x1;
	s10 =	sld [smem:$0x3FB9];
	_ =	sdelay $0x3  }
0x34: {  	[smem:$0x3FB9] =	sst s10  }
0x35: {  	s10 =	sld [smem:$0x3FB8];
	_ =	sdelay $0x3  }
0x36: {  	p1 =	seq.s32 s10, $0x1;
	s10 =	sld [smem:$0x3FB9];
	_ =	sdelay $0x3  }
0x37: {  	[smem:$0x3FB9] =	sst s10  }
0x38: {  	s10 =	sld [smem:$0x3FBA]  }
0x39: {  	_ = 	snop;
	(pc) =	sbr.ind lr, $3  }
0x3a: {  	_ = 	snop  }
0x3b: {  	_ = 	snop  }
0x3c: {  	p2 =	seq.s32 s10, $0x1;
	s10 =	sld [smem:$0x3FB9]  }
0x3d: {  	_ =	shalt  }
0x3e: {  	_ =	shalt  }
0x3f: {  	_ =	shalt  }
0x40: {  	_ =	shalt  }
0x41: {  	_ =	shalt  }
0x42: {  	_ =	shalt  }
0x43: {  	_ =	shalt  }
0x44: {  	_ =	shalt  }
0x45: {  	_ =	shalt  }
0x46: {  	_ =	shalt  }
0x47: {  	_ =	shalt  }
0x48: {  	_ =	shalt  }
0x49: {  	_ =	shalt  }
0x4a: {  	_ =	shalt  }
0x4b: {  	_ =	shalt  }
0x4c: {  	_ =	shalt  }
0x4d: {  	_ =	shalt  }
0x4e: {  	_ =	shalt  }
0x4f: {  	_ =	shalt  }
0x50: {  	_ =	shalt  }
0x51: {  	_ =	shalt  }
0x52: {  	_ =	shalt  }
0x53: {  	_ =	shalt  }
0x54: {  	_ =	shalt  }
0x55: {  	_ =	shalt  }
0x56: {  	_ =	shalt  }
0x57: {  	_ =	shalt  }
0x58: {  	_ =	shalt  }
0x59: {  	_ =	shalt  }
0x5a: {  	_ =	shalt  }
0x5b: {  	_ =	shalt  }
0x5c: {  	_ =	shalt  }
0x5d: {  	_ =	shalt  }
0x5e: {  	_ =	shalt  }
0x5f: {  	_ =	shalt  }
0x60: {  	_ =	shalt  }
0x61: {  	_ =	shalt  }
0x62: {  	_ =	shalt  }
0x63: {  	_ =	shalt  }
0x64: {  	_ =	shalt  }
0x65: {  	_ =	shalt  }
0x66: {  	_ =	shalt  }
0x67: {  	_ =	shalt  }
0x68: {  	_ =	shalt  }
0x69: {  	_ =	shalt  }
0x6a: {  	_ =	shalt  }
0x6b: {  	_ =	shalt  }
0x6c: {  	_ =	shalt  }
0x6d: {  	_ =	shalt  }
0x6e: {  	_ =	shalt  }
0x6f: {  	_ =	shalt  }
0x70: {  	_ =	shalt  }
0x71: {  	_ =	shalt  }
0x72: {  	_ =	shalt  }
0x73: {  	_ =	shalt  }
0x74: {  	_ =	shalt  }
0x75: {  	_ =	shalt  }
0x76: {  	_ =	shalt  }
0x77: {  	_ =	shalt  }
0x78: {  	_ =	shalt  }
0x79: {  	_ =	shalt  }
0x7a: {  	_ =	shalt  }
0x7b: {  	_ =	shalt  }
0x7c: {  	_ =	shalt  }
0x7d: {  	_ =	shalt  }
0x7e: {  	_ =	shalt  }
0x7f: {  	_ =	shalt  }
0x80: {  	_ =	shalt  }
0x81: {  	_ =	shalt  }
0x82: {  	_ =	shalt  }
0x83: {  	_ =	shalt  }
0x84: {  	_ =	shalt  }
0x85: {  	_ =	shalt  }
0x86: {  	_ =	shalt  }
0x87: {  	_ =	shalt  }
.Lfunc_end0:
.L_simem_size_0:
called_computation_lowered:
.L_overlay_start_0:
0x88: {  	s2 =	sld [smem:$0x3FD9]  }
0x89: {  	s3 =	sld [smem:$0x3FFE];
	_ =	sdelay $0x1  }
0x8a: {  	s1 =	srdreg.scid  }
0x8b: {  	s0 =	sand.u32 $0x1, s1  }
0x8c: {  	s17 =	sshll.u32 s0, $0xA;
	s2 =	sadd.s32 s3, s2  }
0x8d: {  	s2 =	sadd.s32 s2, s17  }
0x8e: {  	[smem:$0x3FC5] =	sst s2  }
0x8f: {  	_ = 	snop  }
0x90: {  	s2 =	sld [smem:$0x3FD0];
	(tm) =	ssettm $0x1  }
0x91: {  	s18 =	sld [smem:$0x3FFB];
	_ =	sdelay $0x3  }
0x92: {  	_ =	strace s18  }
0x93: {  	s3 =	sld [smem:$0x3FFC];
	_ =	sdelay $0x3  }
0x94: {  	_ =	strace s3  }
0x95: {  	s3 =	sld [smem:$0x3FFD];
	_ =	sdelay $0x3  }
0x96: {  	_ =	strace s3  }
0x97: {  	_ =	strace $0x8FFFFFFF  }
0x98: {  	s19 =	sld [smem:$0x3FDB];
	_ =	sdelay $0x1  }
0x99: {  	s4 =	simm.s32 $_scs_section_size  }
0x9a: {  	s5 =	simm.s32 $_size__tile_overlayer_lowered;
	s6 =	simm.s32 $_tile_overlayer_lowered  }
0x9b: {  	s22 =	simm.s32 $0x1BFF;
	s21 =	sshll.u32 s6, $0x1;
	s3 =	sadd.s32 s4, s19  }
0x9c: {  	s7 =	simm.s32 $0x0;
	s20 =	sshll.u32 s5, $0x1;
	s5 =	sadd.s32 s21, s3  }
0x9d: {  	[timem:s7], [sflag:s22] =	dma.local [hbm:s5], s20  }
0x9e: {  	_ =	swait.ge [sflag:s22], s20  }
0x9f: {  	s4 =	ssub.s32 $0x0, s20;
	[sflag:s22] =	ssyncset.done $0x0  }
0xa0: {  	[sflag:s22] =	ssyncadd.s32 s4;
	_ =	sdelay $0x1  }
0xa1: {  	s23 =	simm.s32 $0x1B8B  }
0xa2: {  	_ =	swait.ge [sflag:s23], $0x1  }
0xa3: {  	[sflag:s23] =	ssyncset.done $0x0  }
0xa4: {  	s25 =	simm.s32 $0x1B8E;
	s24 =	sld [smem:$0x3FFE];
	[sflag:s23] =	ssyncadd.s32 $0xFFFFFFFF  }
0xa5: {  	s26 =	simm.s32 $execute0_lowered;
	[smem:$0x3FD2] =	sst s25  }
0xa6: {  	s5 =	sshll.u32 s26, $0x1;
	_ =	strace $0x80000046;
	[dreg:$0x1] =	wrdreg $0xFFFFFFFF  }
0xa7: {  	s28 =	simm.s32 $_size_execute0_lowered;
	s3 =	sadd.s32 s3, s5;
	[dreg:$0x0] =	wrdreg $0x0  }
0xa8: {  	s5 =	sshll.u32 s28, $0x1;
	[dreg:$0x2] =	wrdreg s3  }
0xa9: {  	[dreg:$0x3] =	wrdreg s5  }
0xaa: {  	[dreg:$0x4] =	wrdreg $0xC0  }
0xab: {  	_ =	task [dreg:s7], $0x5FFFF  }
0xac: {  	[dreg:$0x1] =	wrdreg $0xFFFFFFFF  }
0xad: {  	[dreg:$0x0] =	wrdreg $0x60  }
0xae: {  	[dreg:$0x2] =	wrdreg s24  }
0xaf: {  	[dreg:$0x3] =	wrdreg s2  }
0xb0: {  	[dreg:$0x4] =	wrdreg $0x9  }
0xb1: {  	_ =	task.clear_ibuf [dreg:s7], $0x5FFFF;
	_ =	strace $0x90000046  }
0xb2: {  	s29 =	simm.s32 $0x9;
	_ =	strace $0x80000048  }
0xb3: {  	_ =	swait.ge [sflag:s29], $0x1  }
0xb4: {  	[sflag:s29] =	ssyncadd.s32 $0xFFFFFFFF  }
0xb5: {  	_ =	strace $0x90000048  }
0xb6: {  	_ =	sfence  }
0xb7: {  	s30 =	sld [smem:$0x0];
	_ =	sdelay $0x2  }
0xb8: {  	s31 =	sshll.u32 s1, $0xD;
	s1 =	sshrl.u32 s1, $0x2  }
0xb9: {  	s3 =	sand.u32 $0x4000, s31;
	s1 =	sadd.s32 s1, s30  }
0xba: {  	s0 =	sor.u32 s3, s0;
	s1 =	sshll.u32 s1, $0x11  }
0xbb: {  	s0 =	sor.u32 s1, s0  }
0xbc: {  	s0 =	sadd.s32 $0x8F2B, s0  }
0xbd: {  	[sflag:s0] =	ssyncadd.remote.s32 $0x1  }
0xbe: {  	_ =	sfence.sel $0xFFFF  }
0xbf: {  	[dreg:$0x0] =	wrdreg $0xFFFFFFFF;
	(pc) =	sbr.abs _section_cstart, $3  }
0xc0: {  	[dreg:$0x1] =	wrdreg $0xFFFFFFFF  }
0xc1: {  	_ =	task.clear_ibuf [dreg:s7], $0x2FFFF;
	_ =	strace $0x9FFFFFFF  }
0xc2: {  	(tm) =	ssettm $0x7FFFFFFF  }
0xc3: {  	_ =	shalt  }
tec
execute0_lowered:
.L_overlay_start_1:
0x0: {  	(tag) =	ssettag $0x1  }
0x1: {  	s0 =	rddreg [dreg:$0x0]  }
0x2: {  	s1 =	rddreg [dreg:$0x1];
	s2 =	srdreg.scid  }
0x3: {  	s4 =	stileid.u32;
	s9 =	simm.s32 $0x3;
	s10 =	simm.s32 $0x200  }
0x4: {  	s11 =	simm.s32 $0x80;
	s16 =	simm.s32 $0x100;
	s19 =	simm.s32 $0x180  }
0x5: {  	s23 =	simm.s32 $0x280;
	s28 =	simm.s32 $0x6400;
	s29 =	simm.s32 $0x8700  }
0x6: {  	s30 =	simm.s32 $0x380;
	s31 =	simm.s32 $0x7400;
	s12 =	simm.s32 $0x2  }
0x7: {  	v0 =	vlaneseq.u32;
	s13 =	simm.s32 $0x8800;
	s14 =	simm.s32 $0x8900;
	s15 =	simm.s32 $0x0  }
0x8: {  	s3 =	sand.u32 $0x1, s2;
	s2 =	simm.s32 $0x0;
	s4 =	sshll.u32 s4, $0x7;
	v0 =	vmul.u32 $0x10, v0  }
0x9: {  	s5 =	sshll.u32 s3, $0x6;
	[smem:$0x7FF] =	sst s2;
	s25 =	ssub.s32 $0x2, s3  }
0xa: {  	s3 =	sadd.s32 $0x1400, s0;
	s7 =	sor.u32 s5, s4;
	_ =	strace $0x80000047;
	v1 =	vor.u32 $0x1, v0;
	v2 =	vor.u32 $0x2, v0;
	v3 =	vor.u32 $0x3, v0  }
0xb: {  	s4 =	sadd.s32 $0xF43800, s0;
	s26 =	sshrl.u32 s25, $0x1;
	v4 =	vor.u32 $0x4, v0;
	v5 =	vor.u32 $0x5, v0;
	v6 =	vor.u32 $0x6, v0;
	s6 =	sadd.s32 s7, s0  }
0xc: {  	v7 =	vor.u32 $0x7, v0;
	v8 =	vor.u32 $0x8, v0;
	v9 =	vor.u32 $0x9, v0;
	s0 =	ssub.s32 s25, s26;
	s7 =	sadd.s32 s1, s7;
	s25 =	simm.s32 $0x8680  }
0xd: {  	v10 =	vor.u32 $0xA, v0;
	v11 =	vor.u32 $0xB, v0;
	v12 =	vor.u32 $0xC, v0;
	s26 =	simm.s32 $0x300;
	s1 =	simm.s32 $0x1;
	s5 =	sadd.s32 $0xC00, s6  }
0xe: {  	v13 =	vor.u32 $0xD, v0;
	v14 =	vor.u32 $0xE, v0;
	v15 =	vor.u32 $0xF, v0;
	s6 =	sadd.s32 $0x400, s6;
	s8 =	smax.u32 s0, $0x1;
	s0 =	simm.s32 $0x8780  }
.LBB2_1:
0xf: {  	[tilespmem:s2], [sflag:$0x3] =	stream.linear.gather [hbm4b:s5+s2], $0x200, $0x38;
	[tilespmem:$0x8B00] =	vst v63  }
0x10: {  	_ =	swait.ge [sflag:s9], $0x200  }
0x11: {  	[sflag:s9] =	ssyncset.done $0x0  }
0x12: {  	[sflag:s9] =	ssyncadd.s32 $0xFFFFFE00  }
0x13: {  	[tilespmem:s10], [sflag:$0x3] =	stream.linear.gather [hbm4b:s6+s2], $0x200, $0x38;
	[tilespmem:$0x8B00] =	vst v63  }
0x14: {  	_ =	swait.ge [sflag:s9], $0x200  }
0x15: {  	[sflag:s9] =	ssyncset.done $0x0  }
0x16: {  	s17 =	simm.s32 $0x400;
	[sflag:s9] =	ssyncadd.s32 $0xFFFFFE00  }
0x17: {  	[tilespmem:s17], [sflag:$0x1] =	stream.indirect.gather [hbm4b:s4+s11], $0x20, s2, s11, $0xb8;
	[tilespmem:$0x8B00] =	vst v63  }
0x18: {  	s20 =	simm.s32 $0x8400  }
0x19: {  	[tilespmem:s20], [sflag:$0x2] =	stream.indirect.gather [hbm4b:s3+s11], $0x1, s2, s11, $0xb8;
	[tilespmem:$0x8B00] =	vst v63  }
0x1a: {  	s21 =	simm.s32 $0x1400  }
0x1b: {  	[tilespmem:s21], [sflag:$0x1] =	stream.indirect.gather [hbm4b:s4+s11], $0x20, s11, s11, $0xb8;
	[tilespmem:$0x8B00] =	vst v63  }
0x1c: {  	s22 =	simm.s32 $0x8480  }
0x1d: {  	[tilespmem:s22], [sflag:$0x2] =	stream.indirect.gather [hbm4b:s3+s11], $0x1, s11, s11, $0xb8;
	[tilespmem:$0x8B00] =	vst v63  }
0x1e: {  	s24 =	simm.s32 $0x2400  }
0x1f: {  	[tilespmem:s24], [sflag:$0x1] =	stream.indirect.gather [hbm4b:s4+s11], $0x20, s16, s11, $0xb8;
	[tilespmem:$0x8B00] =	vst v63  }
0x20: {  	s18 =	simm.s32 $0x8500  }
0x21: {  	[tilespmem:s18], [sflag:$0x2] =	stream.indirect.gather [hbm4b:s3+s11], $0x1, s16, s11, $0xb8;
	[tilespmem:$0x8B00] =	vst v63  }
0x22: {  	s20 =	simm.s32 $0x3400  }
0x23: {  	[tilespmem:s20], [sflag:$0x1] =	stream.indirect.gather [hbm4b:s4+s11], $0x20, s19, s11, $0xb8;
	[tilespmem:$0x8B00] =	vst v63  }
0x24: {  	s21 =	simm.s32 $0x8580  }
0x25: {  	[tilespmem:s21], [sflag:$0x2] =	stream.indirect.gather [hbm4b:s3+s11], $0x1, s19, s11, $0xb8;
	[tilespmem:$0x8B00] =	vst v63  }
0x26: {  	s22 =	simm.s32 $0x4400  }
0x27: {  	[tilespmem:s22], [sflag:$0x1] =	stream.indirect.gather [hbm4b:s4+s11], $0x20, s10, s11, $0xb8;
	[tilespmem:$0x8B00] =	vst v63  }
0x28: {  	s17 =	simm.s32 $0x8600  }
0x29: {  	[tilespmem:s17], [sflag:$0x2] =	stream.indirect.gather [hbm4b:s3+s11], $0x1, s10, s11, $0xb8;
	[tilespmem:$0x8B00] =	vst v63  }
0x2a: {  	s18 =	simm.s32 $0x5400  }
0x2b: {  	[tilespmem:s18], [sflag:$0x1] =	stream.indirect.gather [hbm4b:s4+s11], $0x20, s23, s11, $0xb8;
	[tilespmem:$0x8B00] =	vst v63  }
0x2c: {  	_ = 	snop  }
0x2d: {  	[tilespmem:s25], [sflag:$0x2] =	stream.indirect.gather [hbm4b:s3+s11], $0x1, s23, s11, $0xb8;
	[tilespmem:$0x8B00] =	vst v63  }
0x2e: {  	_ = 	snop  }
0x2f: {  	[tilespmem:s28], [sflag:$0x1] =	stream.indirect.gather [hbm4b:s4+s11], $0x20, s26, s11, $0xb8;
	[tilespmem:$0x8B00] =	vst v63  }
0x30: {  	_ = 	snop  }
0x31: {  	[tilespmem:s29], [sflag:$0x2] =	stream.indirect.gather [hbm4b:s3+s11], $0x1, s26, s11, $0xb8;
	[tilespmem:$0x8B00] =	vst v63  }
0x32: {  	_ = 	snop  }
0x33: {  	[tilespmem:s31], [sflag:$0x1] =	stream.indirect.gather [hbm4b:s4+s11], $0x20, s30, s11, $0xb8;
	[tilespmem:$0x8B00] =	vst v63  }
0x34: {  	_ = 	snop  }
0x35: {  	[tilespmem:s0], [sflag:$0x2] =	stream.indirect.gather [hbm4b:s3+s11], $0x1, s30, s11, $0xb8;
	[tilespmem:$0x8B00] =	vst v63  }
0x36: {  	_ =	swait.ge [sflag:s1], $0x1000  }
0x37: {  	[sflag:s1] =	ssyncset.done $0x0  }
0x38: {  	[sflag:s1] =	ssyncadd.s32 $0xFFFFF000  }
0x39: {  	_ =	swait.ge [sflag:s12], $0x80  }
0x3a: {  	[sflag:s12] =	ssyncset.done $0x0  }
0x3b: {  	[sflag:s12] =	ssyncadd.s32 $0xFFFFFF80  }
0x3c: {  	_ =	swait.ge [sflag:s1], $0x1000  }
0x3d: {  	[sflag:s1] =	ssyncset.done $0x0  }
0x3e: {  	[sflag:s1] =	ssyncadd.s32 $0xFFFFF000  }
0x3f: {  	_ =	swait.ge [sflag:s12], $0x80  }
0x40: {  	[sflag:s12] =	ssyncset.done $0x0  }
0x41: {  	[sflag:s12] =	ssyncadd.s32 $0xFFFFFF80  }
0x42: {  	_ =	swait.ge [sflag:s1], $0x1000  }
0x43: {  	[sflag:s1] =	ssyncset.done $0x0  }
0x44: {  	[sflag:s1] =	ssyncadd.s32 $0xFFFFF000  }
0x45: {  	_ =	swait.ge [sflag:s12], $0x80  }
0x46: {  	[sflag:s12] =	ssyncset.done $0x0  }
0x47: {  	[sflag:s12] =	ssyncadd.s32 $0xFFFFFF80  }
0x48: {  	_ =	swait.ge [sflag:s1], $0x1000  }
0x49: {  	[sflag:s1] =	ssyncset.done $0x0  }
0x4a: {  	[sflag:s1] =	ssyncadd.s32 $0xFFFFF000  }
0x4b: {  	_ =	swait.ge [sflag:s12], $0x80  }
0x4c: {  	[sflag:s12] =	ssyncset.done $0x0  }
0x4d: {  	[sflag:s12] =	ssyncadd.s32 $0xFFFFFF80  }
0x4e: {  	_ =	swait.ge [sflag:s1], $0x1000  }
0x4f: {  	[sflag:s1] =	ssyncset.done $0x0  }
0x50: {  	[sflag:s1] =	ssyncadd.s32 $0xFFFFF000  }
0x51: {  	_ =	swait.ge [sflag:s12], $0x80  }
0x52: {  	[sflag:s12] =	ssyncset.done $0x0  }
0x53: {  	[sflag:s12] =	ssyncadd.s32 $0xFFFFFF80  }
0x54: {  	_ =	swait.ge [sflag:s1], $0x1000  }
0x55: {  	[sflag:s1] =	ssyncset.done $0x0  }
0x56: {  	[sflag:s1] =	ssyncadd.s32 $0xFFFFF000  }
0x57: {  	_ =	swait.ge [sflag:s12], $0x80  }
0x58: {  	[sflag:s12] =	ssyncset.done $0x0  }
0x59: {  	[sflag:s12] =	ssyncadd.s32 $0xFFFFFF80  }
0x5a: {  	_ =	swait.ge [sflag:s1], $0x1000  }
0x5b: {  	[sflag:s1] =	ssyncset.done $0x0  }
0x5c: {  	[sflag:s1] =	ssyncadd.s32 $0xFFFFF000  }
0x5d: {  	_ =	swait.ge [sflag:s12], $0x80  }
0x5e: {  	[sflag:s12] =	ssyncset.done $0x0  }
0x5f: {  	[sflag:s12] =	ssyncadd.s32 $0xFFFFFF80  }
0x60: {  	_ =	swait.ge [sflag:s1], $0x1000  }
0x61: {  	[sflag:s1] =	ssyncset.done $0x0  }
0x62: {  	[sflag:s1] =	ssyncadd.s32 $0xFFFFF000  }
0x63: {  	_ =	swait.ge [sflag:s12], $0x80  }
0x64: {  	[sflag:s12] =	ssyncset.done $0x0  }
0x65: {  	s24 =	simm.s32 $0x0;
	[sflag:s12] =	ssyncadd.s32 $0xFFFFFF80  }
0x66: {  	v16 =	vld [tilespmem:s24+$0x4410]  }
0x67: {  	v17 =	vld [tilespmem:s24+$0x4400]  }
0x68: {  	v18 =	vld [tilespmem:s24+$0x400]  }
0x69: {  	v19 =	vld [tilespmem:s24+$0x410];
	_ =	sdelay $0x4  }
0x6a: {  	v17 =	vmul.f32 v17, v18;
	v16 =	vmul.f32 v16, v19;
	_ =	sdelay $0x1  }
0x6b: {  	v16 =	vadd.f32 v16, v17;
	_ =	sdelay $0x1  }
0x6c: {  	[tilespmem:$0x8800] =	vst v16  }
0x6d: {  	v16 =	vld [tilespmem:s24+$0x420]  }
0x6e: {  	v17 =	vld [tilespmem:s24+$0x430]  }
0x6f: {  	v18 =	vld [tilespmem:s24+$0x4420]  }
0x70: {  	v19 =	vld [tilespmem:s24+$0x4430];
	_ =	sdelay $0x4  }
0x71: {  	v16 =	vmul.f32 v18, v16;
	v17 =	vmul.f32 v19, v17;
	_ =	sdelay $0x1  }
0x72: {  	v16 =	vadd.f32 v17, v16;
	_ =	sdelay $0x1  }
0x73: {  	[tilespmem:$0x8810] =	vst v16  }
0x74: {  	v16 =	vld [tilespmem:s24+$0x4440]  }
0x75: {  	v17 =	vld [tilespmem:s24+$0x450]  }
0x76: {  	v18 =	vld [tilespmem:s24+$0x440]  }
0x77: {  	v19 =	vld [tilespmem:s24+$0x4450];
	_ =	sdelay $0x4  }
0x78: {  	v16 =	vmul.f32 v16, v18;
	v17 =	vmul.f32 v19, v17;
	_ =	sdelay $0x1  }
0x79: {  	v16 =	vadd.f32 v17, v16;
	_ =	sdelay $0x1  }
0x7a: {  	[tilespmem:$0x8820] =	vst v16  }
0x7b: {  	v16 =	vld [tilespmem:s24+$0x4460]  }
0x7c: {  	v17 =	vld [tilespmem:s24+$0x470]  }
0x7d: {  	v18 =	vld [tilespmem:s24+$0x460]  }
0x7e: {  	v19 =	vld [tilespmem:s24+$0x4470];
	_ =	sdelay $0x4  }
0x7f: {  	v16 =	vmul.f32 v16, v18;
	v17 =	vmul.f32 v19, v17;
	_ =	sdelay $0x1  }
0x80: {  	v16 =	vadd.f32 v17, v16;
	_ =	sdelay $0x1  }
0x81: {  	[tilespmem:$0x8830] =	vst v16  }
0x82: {  	v16 =	vld [tilespmem:s24+$0x4480]  }
0x83: {  	v17 =	vld [tilespmem:s24+$0x490]  }
0x84: {  	v18 =	vld [tilespmem:s24+$0x480]  }
0x85: {  	v19 =	vld [tilespmem:s24+$0x4490];
	_ =	sdelay $0x4  }
0x86: {  	v16 =	vmul.f32 v16, v18;
	v17 =	vmul.f32 v19, v17;
	_ =	sdelay $0x1  }
0x87: {  	v16 =	vadd.f32 v17, v16;
	_ =	sdelay $0x1  }
0x88: {  	[tilespmem:$0x8840] =	vst v16  }
0x89: {  	v16 =	vld [tilespmem:s24+$0x44A0]  }
0x8a: {  	v17 =	vld [tilespmem:s24+$0x4B0]  }
0x8b: {  	v18 =	vld [tilespmem:s24+$0x4A0]  }
0x8c: {  	v19 =	vld [tilespmem:s24+$0x44B0];
	_ =	sdelay $0x4  }
0x8d: {  	v16 =	vmul.f32 v16, v18;
	v17 =	vmul.f32 v19, v17;
	_ =	sdelay $0x1  }
0x8e: {  	v16 =	vadd.f32 v17, v16;
	_ =	sdelay $0x1  }
0x8f: {  	[tilespmem:$0x8850] =	vst v16  }
0x90: {  	v16 =	vld [tilespmem:s24+$0x44D0]  }
0x91: {  	v17 =	vld [tilespmem:s24+$0x44C0]  }
0x92: {  	v18 =	vld [tilespmem:s24+$0x4D0]  }
0x93: {  	v19 =	vld [tilespmem:s24+$0x4C0];
	_ =	sdelay $0x4  }
0x94: {  	v16 =	vmul.f32 v16, v18;
	v17 =	vmul.f32 v17, v19;
	_ =	sdelay $0x1  }
0x95: {  	v16 =	vadd.f32 v16, v17;
	_ =	sdelay $0x1  }
0x96: {  	[tilespmem:$0x8860] =	vst v16  }
0x97: {  	v16 =	vld [tilespmem:s24+$0x44E0]  }
0x98: {  	v17 =	vld [tilespmem:s24+$0x4F0]  }
0x99: {  	v18 =	vld [tilespmem:s24+$0x4E0]  }
0x9a: {  	v19 =	vld [tilespmem:s24+$0x44F0];
	_ =	sdelay $0x4  }
0x9b: {  	v16 =	vmul.f32 v16, v18;
	v17 =	vmul.f32 v19, v17;
	_ =	sdelay $0x1  }
0x9c: {  	v16 =	vadd.f32 v17, v16;
	_ =	sdelay $0x1  }
0x9d: {  	[tilespmem:$0x8870] =	vst v16  }
0x9e: {  	v16 =	vld [tilespmem:s24+$0x4500]  }
0x9f: {  	v17 =	vld [tilespmem:s24+$0x510]  }
0xa0: {  	v18 =	vld [tilespmem:s24+$0x500]  }
0xa1: {  	v19 =	vld [tilespmem:s24+$0x4510];
	_ =	sdelay $0x4  }
0xa2: {  	v16 =	vmul.f32 v16, v18;
	v17 =	vmul.f32 v19, v17;
	_ =	sdelay $0x1  }
0xa3: {  	v16 =	vadd.f32 v17, v16;
	_ =	sdelay $0x1  }
0xa4: {  	[tilespmem:$0x8880] =	vst v16  }
0xa5: {  	v16 =	vld [tilespmem:s24+$0x4530]  }
0xa6: {  	v17 =	vld [tilespmem:s24+$0x530]  }
0xa7: {  	v18 =	vld [tilespmem:s24+$0x520]  }
0xa8: {  	v19 =	vld [tilespmem:s24+$0x4520];
	_ =	sdelay $0x4  }
0xa9: {  	v16 =	vmul.f32 v16, v17;
	v17 =	vmul.f32 v19, v18;
	_ =	sdelay $0x1  }
0xaa: {  	v16 =	vadd.f32 v16, v17;
	_ =	sdelay $0x1  }
0xab: {  	[tilespmem:$0x8890] =	vst v16  }
0xac: {  	v16 =	vld [tilespmem:s24+$0x4540]  }
0xad: {  	v17 =	vld [tilespmem:s24+$0x550]  }
0xae: {  	v18 =	vld [tilespmem:s24+$0x540]  }
0xaf: {  	v19 =	vld [tilespmem:s24+$0x4550];
	_ =	sdelay $0x4  }
0xb0: {  	v16 =	vmul.f32 v16, v18;
	v17 =	vmul.f32 v19, v17;
	_ =	sdelay $0x1  }
0xb1: {  	v16 =	vadd.f32 v17, v16;
	_ =	sdelay $0x1  }
0xb2: {  	[tilespmem:$0x88A0] =	vst v16  }
0xb3: {  	v16 =	vld [tilespmem:s24+$0x4560]  }
0xb4: {  	v17 =	vld [tilespmem:s24+$0x570]  }
0xb5: {  	v18 =	vld [tilespmem:s24+$0x560]  }
0xb6: {  	v19 =	vld [tilespmem:s24+$0x4570];
	_ =	sdelay $0x4  }
0xb7: {  	v16 =	vmul.f32 v16, v18;
	v17 =	vmul.f32 v19, v17;
	_ =	sdelay $0x1  }
0xb8: {  	v16 =	vadd.f32 v17, v16;
	_ =	sdelay $0x1  }
0xb9: {  	[tilespmem:$0x88B0] =	vst v16  }
0xba: {  	v16 =	vld [tilespmem:s24+$0x4590]  }
0xbb: {  	v17 =	vld [tilespmem:s24+$0x4580]  }
0xbc: {  	v18 =	vld [tilespmem:s24+$0x590]  }
0xbd: {  	v19 =	vld [tilespmem:s24+$0x580];
	_ =	sdelay $0x4  }
0xbe: {  	v16 =	vmul.f32 v16, v18;
	v17 =	vmul.f32 v17, v19;
	_ =	sdelay $0x1  }
0xbf: {  	v16 =	vadd.f32 v16, v17;
	_ =	sdelay $0x1  }
0xc0: {  	[tilespmem:$0x88C0] =	vst v16  }
0xc1: {  	v16 =	vld [tilespmem:s24+$0x45B0]  }
0xc2: {  	v17 =	vld [tilespmem:s24+$0x5B0]  }
0xc3: {  	v18 =	vld [tilespmem:s24+$0x45A0]  }
0xc4: {  	v19 =	vld [tilespmem:s24+$0x5A0];
	_ =	sdelay $0x4  }
0xc5: {  	v16 =	vmul.f32 v16, v17;
	v17 =	vmul.f32 v18, v19;
	_ =	sdelay $0x1  }
0xc6: {  	v16 =	vadd.f32 v16, v17;
	_ =	sdelay $0x1  }
0xc7: {  	[tilespmem:$0x88D0] =	vst v16  }
0xc8: {  	v16 =	vld [tilespmem:s24+$0x5D0]  }
0xc9: {  	v17 =	vld [tilespmem:s24+$0x45C0]  }
0xca: {  	v18 =	vld [tilespmem:s24+$0x5C0]  }
0xcb: {  	v19 =	vld [tilespmem:s24+$0x45D0];
	_ =	sdelay $0x4  }
0xcc: {  	v17 =	vmul.f32 v17, v18;
	v16 =	vmul.f32 v19, v16;
	_ =	sdelay $0x1  }
0xcd: {  	v16 =	vadd.f32 v16, v17;
	_ =	sdelay $0x1  }
0xce: {  	[tilespmem:$0x88E0] =	vst v16  }
0xcf: {  	v16 =	vld [tilespmem:s24+$0x5E0]  }
0xd0: {  	v17 =	vld [tilespmem:s24+$0x45F0]  }
0xd1: {  	s20 =	simm.s32 $0x8600;
	v19 =	vld [tilespmem:s24+$0x5F0]  }
0xd2: {  	s21 =	simm.s32 $0x800;
	s22 =	simm.s32 $0x8900;
	s18 =	simm.s32 $0x8900;
	v18 =	vld [tilespmem:s24+$0x45E0]  }
.LBB2_2:
0xd3: {  	_ =	sdelay $0x2  }
0xd4: {  	p0 =	sne.s32 s21, $0xF800;
	s17 =	sadd.s32 $0x10, s17;
	s22 =	sadd.s32 $0x10, s22;
	v17 =	vmul.f32 v17, v19  }
0xd5: {  	s24 =	smov.u32 s21;
	s21 =	sadd.s32 $0x800, s21;
	v16 =	vmul.f32 v18, v16;
	_ =	sdelay $0x1  }
0xd6: {  	v16 =	vadd.f32 v17, v16;
	_ =	sdelay $0x1  }
0xd7: {  	[tilespmem:$0x88F0] =	vst v16  }
0xd8: {  	v16 =	vld.idx.msk [tilespmem:v0+s13+$0x0], $0xffff  }
0xd9: {  	v17 =	vld.idx.msk [tilespmem:v1+s13+$0x0], $0xffff  }
0xda: {  	v18 =	vld.idx.msk [tilespmem:v2+s13+$0x0], $0xffff  }
0xdb: {  	v19 =	vld.idx.msk [tilespmem:v3+s13+$0x0], $0xffff  }
0xdc: {  	v20 =	vld.idx.msk [tilespmem:v4+s13+$0x0], $0xffff  }
0xdd: {  	v21 =	vld.idx.msk [tilespmem:v5+s13+$0x0], $0xffff  }
0xde: {  	v16 =	vadd.f32 $0.0e+00, v16;
	v22 =	vld.idx.msk [tilespmem:v6+s13+$0x0], $0xffff  }
0xdf: {  	v23 =	vld.idx.msk [tilespmem:v7+s13+$0x0], $0xffff  }
0xe0: {  	v16 =	vadd.f32 v17, v16;
	v17 =	vld.idx.msk [tilespmem:v8+s13+$0x0], $0xffff  }
0xe1: {  	v24 =	vld.idx.msk [tilespmem:v9+s13+$0x0], $0xffff  }
0xe2: {  	v16 =	vadd.f32 v18, v16;
	v18 =	vld.idx.msk [tilespmem:v10+s13+$0x0], $0xffff  }
0xe3: {  	v25 =	vld.idx.msk [tilespmem:v11+s13+$0x0], $0xffff  }
0xe4: {  	v16 =	vadd.f32 v19, v16;
	v19 =	vld.idx.msk [tilespmem:v12+s13+$0x0], $0xffff  }
0xe5: {  	v26 =	vld.idx.msk [tilespmem:v13+s13+$0x0], $0xffff  }
0xe6: {  	v16 =	vadd.f32 v20, v16;
	v20 =	vld.idx.msk [tilespmem:v14+s13+$0x0], $0xffff  }
0xe7: {  	v27 =	vld.idx.msk [tilespmem:v15+s13+$0x0], $0xffff  }
0xe8: {  	v16 =	vadd.f32 v21, v16;
	v21 =	vld [tilespmem:s20+$0xFFFFFE00]  }
0xe9: {  	v28 =	vld [tilespmem:s20+$0x0];
	s20 =	smov.u32 s17  }
0xea: {  	v16 =	vadd.f32 v22, v16;
	_ =	sdelay $0x1  }
0xeb: {  	v16 =	vadd.f32 v23, v16;
	_ =	sdelay $0x1  }
0xec: {  	v16 =	vadd.f32 v17, v16;
	_ =	sdelay $0x1  }
0xed: {  	v16 =	vadd.f32 v24, v16;
	_ =	sdelay $0x1  }
0xee: {  	v16 =	vadd.f32 v18, v16;
	_ =	sdelay $0x1  }
0xef: {  	v16 =	vadd.f32 v25, v16;
	_ =	sdelay $0x1  }
0xf0: {  	v16 =	vadd.f32 v19, v16;
	_ =	sdelay $0x1  }
0xf1: {  	v16 =	vadd.f32 v26, v16;
	_ =	sdelay $0x1  }
0xf2: {  	v16 =	vadd.f32 v20, v16;
	_ =	sdelay $0x1  }
0xf3: {  	v16 =	vadd.f32 v27, v16;
	_ =	sdelay $0x1  }
0xf4: {  	v16 =	vadd.f32 v21, v16;
	_ =	sdelay $0x1  }
0xf5: {  	v16 =	vadd.f32 v28, v16;
	_ =	sdelay $0x1  }
0xf6: {  	s24 =	sshra.s32 s24, $0x2;
	[tilespmem:s18+$0x0] =	vst v16;
	s18 =	smov.u32 s22  }
0xf7: {  	v16 =	vld [tilespmem:s24+$0x4410]  }
0xf8: {  	v17 =	vld [tilespmem:s24+$0x4400]  }
0xf9: {  	v18 =	vld [tilespmem:s24+$0x400]  }
0xfa: {  	v19 =	vld [tilespmem:s24+$0x410];
	_ =	sdelay $0x3  }
0xfb: {  	v17 =	vmul.f32 v17, v18  }
0xfc: {  	v16 =	vmul.f32 v16, v19;
	_ =	sdelay $0x1  }
0xfd: {  	v16 =	vadd.f32 v16, v17;
	_ =	sdelay $0x1  }
0xfe: {  	[tilespmem:$0x8800] =	vst v16  }
0xff: {  	v16 =	vld [tilespmem:s24+$0x420]  }
0x100: {  	v17 =	vld [tilespmem:s24+$0x430]  }
0x101: {  	v18 =	vld [tilespmem:s24+$0x4420]  }
0x102: {  	v19 =	vld [tilespmem:s24+$0x4430];
	_ =	sdelay $0x3  }
0x103: {  	v16 =	vmul.f32 v18, v16  }
0x104: {  	v17 =	vmul.f32 v19, v17;
	_ =	sdelay $0x1  }
0x105: {  	v16 =	vadd.f32 v17, v16;
	_ =	sdelay $0x1  }
0x106: {  	[tilespmem:$0x8810] =	vst v16  }
0x107: {  	v16 =	vld [tilespmem:s24+$0x4440]  }
0x108: {  	v17 =	vld [tilespmem:s24+$0x450]  }
0x109: {  	v18 =	vld [tilespmem:s24+$0x440]  }
0x10a: {  	v19 =	vld [tilespmem:s24+$0x4450];
	_ =	sdelay $0x3  }
0x10b: {  	v16 =	vmul.f32 v16, v18  }
0x10c: {  	v17 =	vmul.f32 v19, v17;
	_ =	sdelay $0x1  }
0x10d: {  	v16 =	vadd.f32 v17, v16;
	_ =	sdelay $0x1  }
0x10e: {  	[tilespmem:$0x8820] =	vst v16  }
0x10f: {  	v16 =	vld [tilespmem:s24+$0x4460]  }
0x110: {  	v17 =	vld [tilespmem:s24+$0x470]  }
0x111: {  	v18 =	vld [tilespmem:s24+$0x460]  }
0x112: {  	v19 =	vld [tilespmem:s24+$0x4470];
	_ =	sdelay $0x3  }
0x113: {  	v16 =	vmul.f32 v16, v18  }
0x114: {  	v17 =	vmul.f32 v19, v17;
	_ =	sdelay $0x1  }
0x115: {  	v16 =	vadd.f32 v17, v16;
	_ =	sdelay $0x1  }
0x116: {  	[tilespmem:$0x8830] =	vst v16  }
0x117: {  	v16 =	vld [tilespmem:s24+$0x4480]  }
0x118: {  	v17 =	vld [tilespmem:s24+$0x490]  }
0x119: {  	v18 =	vld [tilespmem:s24+$0x480]  }
0x11a: {  	v19 =	vld [tilespmem:s24+$0x4490];
	_ =	sdelay $0x3  }
0x11b: {  	v16 =	vmul.f32 v16, v18  }
0x11c: {  	v17 =	vmul.f32 v19, v17;
	_ =	sdelay $0x1  }
0x11d: {  	v16 =	vadd.f32 v17, v16;
	_ =	sdelay $0x1  }
0x11e: {  	[tilespmem:$0x8840] =	vst v16  }
0x11f: {  	v16 =	vld [tilespmem:s24+$0x44A0]  }
0x120: {  	v17 =	vld [tilespmem:s24+$0x4B0]  }
0x121: {  	v18 =	vld [tilespmem:s24+$0x4A0]  }
0x122: {  	v19 =	vld [tilespmem:s24+$0x44B0];
	_ =	sdelay $0x3  }
0x123: {  	v16 =	vmul.f32 v16, v18  }
0x124: {  	v17 =	vmul.f32 v19, v17;
	_ =	sdelay $0x1  }
0x125: {  	v16 =	vadd.f32 v17, v16;
	_ =	sdelay $0x1  }
0x126: {  	[tilespmem:$0x8850] =	vst v16  }
0x127: {  	v16 =	vld [tilespmem:s24+$0x44D0]  }
0x128: {  	v17 =	vld [tilespmem:s24+$0x44C0]  }
0x129: {  	v18 =	vld [tilespmem:s24+$0x4D0]  }
0x12a: {  	v19 =	vld [tilespmem:s24+$0x4C0];
	_ =	sdelay $0x3  }
0x12b: {  	v16 =	vmul.f32 v16, v18  }
0x12c: {  	v17 =	vmul.f32 v17, v19;
	_ =	sdelay $0x1  }
0x12d: {  	v16 =	vadd.f32 v16, v17;
	_ =	sdelay $0x1  }
0x12e: {  	[tilespmem:$0x8860] =	vst v16  }
0x12f: {  	v16 =	vld [tilespmem:s24+$0x44E0]  }
0x130: {  	v17 =	vld [tilespmem:s24+$0x4F0]  }
0x131: {  	v18 =	vld [tilespmem:s24+$0x4E0]  }
0x132: {  	v19 =	vld [tilespmem:s24+$0x44F0];
	_ =	sdelay $0x3  }
0x133: {  	v16 =	vmul.f32 v16, v18  }
0x134: {  	v17 =	vmul.f32 v19, v17;
	_ =	sdelay $0x1  }
0x135: {  	v16 =	vadd.f32 v17, v16;
	_ =	sdelay $0x1  }
0x136: {  	[tilespmem:$0x8870] =	vst v16  }
0x137: {  	v16 =	vld [tilespmem:s24+$0x4500]  }
0x138: {  	v17 =	vld [tilespmem:s24+$0x510]  }
0x139: {  	v18 =	vld [tilespmem:s24+$0x500]  }
0x13a: {  	v19 =	vld [tilespmem:s24+$0x4510];
	_ =	sdelay $0x3  }
0x13b: {  	v16 =	vmul.f32 v16, v18  }
0x13c: {  	v17 =	vmul.f32 v19, v17;
	_ =	sdelay $0x1  }
0x13d: {  	v16 =	vadd.f32 v17, v16;
	_ =	sdelay $0x1  }
0x13e: {  	[tilespmem:$0x8880] =	vst v16  }
0x13f: {  	v16 =	vld [tilespmem:s24+$0x4530]  }
0x140: {  	v17 =	vld [tilespmem:s24+$0x530]  }
0x141: {  	v18 =	vld [tilespmem:s24+$0x520]  }
0x142: {  	v19 =	vld [tilespmem:s24+$0x4520];
	_ =	sdelay $0x2  }
0x143: {  	v16 =	vmul.f32 v16, v17;
	_ =	sdelay $0x1  }
0x144: {  	v17 =	vmul.f32 v19, v18;
	_ =	sdelay $0x1  }
0x145: {  	v16 =	vadd.f32 v16, v17;
	_ =	sdelay $0x1  }
0x146: {  	[tilespmem:$0x8890] =	vst v16  }
0x147: {  	v16 =	vld [tilespmem:s24+$0x4540]  }
0x148: {  	v17 =	vld [tilespmem:s24+$0x550]  }
0x149: {  	v18 =	vld [tilespmem:s24+$0x540]  }
0x14a: {  	v19 =	vld [tilespmem:s24+$0x4550];
	_ =	sdelay $0x3  }
0x14b: {  	v16 =	vmul.f32 v16, v18  }
0x14c: {  	v17 =	vmul.f32 v19, v17;
	_ =	sdelay $0x1  }
0x14d: {  	v16 =	vadd.f32 v17, v16;
	_ =	sdelay $0x1  }
0x14e: {  	[tilespmem:$0x88A0] =	vst v16  }
0x14f: {  	v16 =	vld [tilespmem:s24+$0x4560]  }
0x150: {  	v17 =	vld [tilespmem:s24+$0x570]  }
0x151: {  	v18 =	vld [tilespmem:s24+$0x560]  }
0x152: {  	v19 =	vld [tilespmem:s24+$0x4570];
	_ =	sdelay $0x3  }
0x153: {  	v16 =	vmul.f32 v16, v18  }
0x154: {  	v17 =	vmul.f32 v19, v17;
	_ =	sdelay $0x1  }
0x155: {  	v16 =	vadd.f32 v17, v16;
	_ =	sdelay $0x1  }
0x156: {  	[tilespmem:$0x88B0] =	vst v16  }
0x157: {  	v16 =	vld [tilespmem:s24+$0x4590]  }
0x158: {  	v17 =	vld [tilespmem:s24+$0x4580]  }
0x159: {  	v18 =	vld [tilespmem:s24+$0x590]  }
0x15a: {  	v19 =	vld [tilespmem:s24+$0x580];
	_ =	sdelay $0x3  }
0x15b: {  	v16 =	vmul.f32 v16, v18  }
0x15c: {  	v17 =	vmul.f32 v17, v19;
	_ =	sdelay $0x1  }
0x15d: {  	v16 =	vadd.f32 v16, v17;
	_ =	sdelay $0x1  }
0x15e: {  	[tilespmem:$0x88C0] =	vst v16  }
0x15f: {  	v16 =	vld [tilespmem:s24+$0x45B0]  }
0x160: {  	v17 =	vld [tilespmem:s24+$0x5B0]  }
0x161: {  	v18 =	vld [tilespmem:s24+$0x45A0]  }
0x162: {  	v19 =	vld [tilespmem:s24+$0x5A0];
	_ =	sdelay $0x3  }
0x163: {  	v16 =	vmul.f32 v16, v17  }
0x164: {  	v17 =	vmul.f32 v18, v19;
	_ =	sdelay $0x1  }
0x165: {  	v16 =	vadd.f32 v16, v17;
	_ =	sdelay $0x1  }
0x166: {  	[tilespmem:$0x88D0] =	vst v16  }
0x167: {  	v16 =	vld [tilespmem:s24+$0x5D0]  }
0x168: {  	v17 =	vld [tilespmem:s24+$0x45C0]  }
0x169: {  	v18 =	vld [tilespmem:s24+$0x5C0]  }
0x16a: {  	v19 =	vld [tilespmem:s24+$0x45D0];
	_ =	sdelay $0x3  }
0x16b: {  	v17 =	vmul.f32 v17, v18  }
0x16c: {  	v16 =	vmul.f32 v19, v16;
	_ =	sdelay $0x1  }
0x16d: {  	v16 =	vadd.f32 v16, v17;
	_ =	sdelay $0x1  }
.Ltmp0:
0x16e: {  	[tilespmem:$0x88E0] =	vst v16;
	(pc) =	sbr.rel @p0 .LBB2_2-.Ltmp0, $4  }
0x16f: {  	v16 =	vld [tilespmem:s24+$0x5E0]  }
0x170: {  	v17 =	vld [tilespmem:s24+$0x45F0]  }
0x171: {  	v19 =	vld [tilespmem:s24+$0x5F0]  }
0x172: {  	v18 =	vld [tilespmem:s24+$0x45E0]  }
0x173: {  	_ =	sdelay $0x3  }
0x174: {  	v17 =	vmul.f32 v17, v19;
	v16 =	vmul.f32 v18, v16;
	_ =	sdelay $0x1  }
0x175: {  	v16 =	vadd.f32 v17, v16;
	_ =	sdelay $0x1  }
0x176: {  	[tilespmem:$0x88F0] =	vst v16  }
0x177: {  	v16 =	vld.idx.msk [tilespmem:v0+s13+$0x0], $0xffff;
	_ =	sdelay $0x1  }
0x178: {  	v17 =	vld.idx.msk [tilespmem:v1+s13+$0x0], $0xffff;
	_ =	sdelay $0x1  }
0x179: {  	v53 =	vld.idx.msk [tilespmem:v2+s13+$0x0], $0xffff  }
0x17a: {  	v16 =	vadd.f32 $0.0e+00, v16  }
0x17b: {  	v54 =	vld.idx.msk [tilespmem:v3+s13+$0x0], $0xffff  }
0x17c: {  	v16 =	vadd.f32 v17, v16  }
0x17d: {  	v17 =	vld.idx.msk [tilespmem:v4+s13+$0x0], $0xffff  }
0x17e: {  	v16 =	vadd.f32 v53, v16  }
0x17f: {  	v55 =	vld.idx.msk [tilespmem:v5+s13+$0x0], $0xffff  }
0x180: {  	v16 =	vadd.f32 v54, v16  }
0x181: {  	v56 =	vld.idx.msk [tilespmem:v6+s13+$0x0], $0xffff  }
0x182: {  	v16 =	vadd.f32 v17, v16  }
0x183: {  	v17 =	vld.idx.msk [tilespmem:v7+s13+$0x0], $0xffff  }
0x184: {  	v16 =	vadd.f32 v55, v16  }
0x185: {  	v57 =	vld.idx.msk [tilespmem:v8+s13+$0x0], $0xffff  }
0x186: {  	v16 =	vadd.f32 v56, v16  }
0x187: {  	v58 =	vld.idx.msk [tilespmem:v9+s13+$0x0], $0xffff  }
0x188: {  	v16 =	vadd.f32 v17, v16  }
0x189: {  	v17 =	vld.idx.msk [tilespmem:v10+s13+$0x0], $0xffff  }
0x18a: {  	v16 =	vadd.f32 v57, v16  }
0x18b: {  	v59 =	vld.idx.msk [tilespmem:v11+s13+$0x0], $0xffff  }
0x18c: {  	v16 =	vadd.f32 v58, v16  }
0x18d: {  	v60 =	vld.idx.msk [tilespmem:v12+s13+$0x0], $0xffff  }
0x18e: {  	v16 =	vadd.f32 v17, v16  }
0x18f: {  	v17 =	vld.idx.msk [tilespmem:v13+s13+$0x0], $0xffff  }
0x190: {  	v16 =	vadd.f32 v59, v16  }
0x191: {  	v61 =	vld.idx.msk [tilespmem:v14+s13+$0x0], $0xffff  }
0x192: {  	v16 =	vadd.f32 v60, v16  }
0x193: {  	v62 =	vld.idx.msk [tilespmem:v15+s13+$0x0], $0xffff  }
0x194: {  	v16 =	vadd.f32 v17, v16  }
0x195: {  	v17 =	vld [tilespmem:s20+$0xFFFFFE00]  }
0x196: {  	v16 =	vadd.f32 v61, v16  }
0x197: {  	v63 =	vld [tilespmem:s20+$0x0]  }
0x198: {  	v16 =	vadd.f32 v62, v16;
	_ =	sdelay $0x1  }
0x199: {  	v16 =	vadd.f32 v17, v16;
	_ =	sdelay $0x1  }
0x19a: {  	s15 =	sadd.s32 $0x1, s15;
	v16 =	vadd.f32 v63, v16  }
0x19b: {  	p0 =	sne.s32 s15, s8  }
.Ltmp1:
0x19c: {  	[tilespmem:s18+$0x0] =	vst v16;
	(pc) =	sbr.rel @p0 .LBB2_1-.Ltmp1, $4  }
0x19d: {  	[hbm4b:s7+s2] =	stream.linear.scatter [tilespmem:s14], [sflag:$0x3], $0x200, $0x38;
	[tilespmem:$0x8B00] =	vst v63  }
0x19e: {  	_ =	swait.ge [sflag:s9], $0x200  }
0x19f: {  	[sflag:s9] =	ssyncset.done $0x0  }
0x1a0: {  	[sflag:s9] =	ssyncadd.s32 $0xFFFFFE00  }
0x1a1: {  	_ =	sfence.sel $0x180000  }
0x1a2: {  	[bflag:$0x0] =	sbarrier.arrive $0xFFFF  }
0x1a3: {  	_ =	strace $0x90000047  }
0x1a4: {  	s0 =	stileid.u32;
	[bflag:$0x2] =	sbarrier.arrive $0xFFFF  }
0x1a5: {  	p0 =	sne.s32 s0, $0x0;
	s0 =	rddreg [dreg:$0x2]  }
0x1a6: {  	s0 =	sadd.s32 @!p0 $0x100000, s0  }
0x1a7: {  	[sflag:s0] =	ssyncadd.tile.s32 @!p0 $0x1;
	_ =	shalt  }
.Lfunc_end2:
_tile_overlayer_lowered:
.L_overlay_start_2:
0x1a8: {  	(tag) =	ssettag $0x2  }
0x1a9: {  	s0 =	rddreg [dreg:$0x0];
	s2 =	stileid.u32  }
0x1aa: {  	s1 =	rddreg [dreg:$0x1];
	p0 =	sne.s32 s2, $0x0  }
0x1ab: {  	s3 =	rddreg [dreg:$0x2];
	[bflag:$0x3] =	sbarrier.arrive $0xFFFF;
	s2 =	simm.s32 @!p0 $0x1C03  }
0x1ac: {  	[timem:s3], [sflag:s2] =	dma.local @!p0 [hbm:s0], s1  }
0x1ad: {  	s0 =	simm.s32 @!p0 $0x3  }
0x1ae: {  	_ =	swait.ge @!p0 [sflag:s0], s1  }
0x1af: {  	s1 =	ssub.s32 @!p0 $0x0, s1;
	[sflag:s0] =	ssyncset.done @!p0 $0x0  }
0x1b0: {  	[sflag:s0] =	ssyncadd.s32 @!p0 s1  }
0x1b1: {  	[bflag:$0x3] =	sbarrier.arrive $0xFFFF  }
0x1b2: {  	_ =	shalt  }

</sc_bundles>
